<compile_context>
chip_gen: v7x
topology: tpu7x:2x2x1
jax: 0.10.2.dev20260603
libtpu: 0.0.44.dev20260713+nightly
codegen_flags: <defaults>
</compile_context>

<pallas_src>
import functools

import jax
import jax.numpy as jnp
from jax import lax
from jax.experimental import pallas as pl
from jax.experimental.pallas import tpu as pltpu
from jax.experimental.pallas import tpu_sc as plsc

E = 160000
EMB = 128
NR = 6
NS = 7
NB = 8

BLK = 1280


def _edge_transform_body(m_ref, rbf_ref, sbf_ref, W_rbf_ref, W_ji_ref, b_ji_ref,
                         W_kj_ref, b_kj_ref, W_sbf_ref,
                         x_ji_ref, x_kj_ref, sbf_p_ref):
    m = m_ref[...]
    rbf_p = rbf_ref[...] @ W_rbf_ref[...]
    x_ji_ref[...] = m @ W_ji_ref[...] + b_ji_ref[...][None, :]
    x_kj_ref[...] = (m @ W_kj_ref[...] + b_kj_ref[...][None, :]) * rbf_p
    sbf_p_ref[...] = sbf_ref[...] @ W_sbf_ref[...]


def _edge_transform(m, rbf, sbf, W_rbf, W_ji, b_ji, W_kj, b_kj, W_sbf):
    nblk = E // BLK
    row = lambda i: (i, 0)
    full = lambda i: (0, 0)
    return pl.pallas_call(
        _edge_transform_body,
        grid=(nblk,),
        in_specs=[
            pl.BlockSpec((BLK, EMB), row),
            pl.BlockSpec((BLK, NR), row),
            pl.BlockSpec((BLK, NR * NS), row),
            pl.BlockSpec((NR, EMB), full),
            pl.BlockSpec((EMB, EMB), full),
            pl.BlockSpec((EMB,), lambda i: (0,)),
            pl.BlockSpec((EMB, EMB), full),
            pl.BlockSpec((EMB,), lambda i: (0,)),
            pl.BlockSpec((NR * NS, NB), full),
        ],
        out_specs=[
            pl.BlockSpec((BLK, EMB), row),
            pl.BlockSpec((BLK, EMB), row),
            pl.BlockSpec((BLK, NB), row),
        ],
        out_shape=[
            jax.ShapeDtypeStruct((E, EMB), jnp.float32),
            jax.ShapeDtypeStruct((E, EMB), jnp.float32),
            jax.ShapeDtypeStruct((E, NB), jnp.float32),
        ],
    )(m, rbf, sbf, W_rbf, W_ji, b_ji, W_kj, b_kj, W_sbf)


def _bilinear_body(xk_ref, sbf_p_ref, Wb_ref, msg_ref):
    xk = xk_ref[...]
    sbf_p = sbf_p_ref[...]
    acc = jnp.zeros((BLK, EMB), jnp.float32)
    for l in range(NB):
        t = jax.lax.dot_general(
            xk, Wb_ref[:, l * EMB:(l + 1) * EMB],
            (((1,), (0,)), ((), ())), preferred_element_type=jnp.float32)
        acc = acc + sbf_p[:, l:l + 1] * t
    msg_ref[...] = acc


def _bilinear(xk, sbf_p, Wb):
    nblk = E // BLK
    return pl.pallas_call(
        _bilinear_body,
        grid=(nblk,),
        in_specs=[
            pl.BlockSpec((BLK, EMB), lambda i: (i, 0)),
            pl.BlockSpec((BLK, NB), lambda i: (i, 0)),
            pl.BlockSpec((EMB, NB * EMB), lambda i: (0, 0)),
        ],
        out_specs=pl.BlockSpec((BLK, EMB), lambda i: (i, 0)),
        out_shape=jax.ShapeDtypeStruct((E, EMB), jnp.float32),
    )(xk, sbf_p, Wb)


def _residual_body(mu_ref, xji_ref, m_ref,
                   w1_ref, b1_ref, w2_ref, b2_ref, wf_ref, bf_ref,
                   a1_ref, ab1_ref, a2_ref, ab2_ref, a3_ref, ab3_ref,
                   a4_ref, ab4_ref, out_ref):
    f32 = jnp.float32
    mm = lambda a, b: jax.lax.dot_general(a, b, (((1,), (0,)), ((), ())),
                                          preferred_element_type=f32)
    h = mu_ref[...] + xji_ref[...]
    h = h + mm(mm(h, w1_ref[...]) + b1_ref[...][None, :], w2_ref[...]) + b2_ref[...][None, :]
    h = mm(h, wf_ref[...]) + bf_ref[...][None, :]
    out = m_ref[...] + h
    out = out + mm(mm(out, a1_ref[...]) + ab1_ref[...][None, :], a2_ref[...]) + ab2_ref[...][None, :]
    out = out + mm(mm(out, a3_ref[...]) + ab3_ref[...][None, :], a4_ref[...]) + ab4_ref[...][None, :]
    out_ref[...] = out


def _residual_stack(m_update, x_ji, m, rb1_W1, rb1_b1, rb1_W2, rb1_b2,
                    W_final, b_final, ra1_W1, ra1_b1, ra1_W2, ra1_b2,
                    ra2_W1, ra2_b1, ra2_W2, ra2_b2):
    nblk = E // BLK
    row = lambda i: (i, 0)
    full = lambda i: (0, 0)
    vec = lambda i: (0,)
    wspec = []
    for _ in range(7):
        wspec += [pl.BlockSpec((EMB, EMB), full), pl.BlockSpec((EMB,), vec)]
    return pl.pallas_call(
        _residual_body,
        grid=(nblk,),
        in_specs=[pl.BlockSpec((BLK, EMB), row)] * 3 + wspec,
        out_specs=pl.BlockSpec((BLK, EMB), row),
        out_shape=jax.ShapeDtypeStruct((E, EMB), jnp.float32),
    )(m_update, x_ji, m, rb1_W1, rb1_b1, rb1_W2, rb1_b2, W_final, b_final,
      ra1_W1, ra1_b1, ra1_W2, ra1_b2, ra2_W1, ra2_b1, ra2_W2, ra2_b2)


_GCHUNK = 200
_NW = 32


def _sc_gather(src, x_kj):
    nchunks_per_w = E // (_GCHUNK * _NW)
    mesh = plsc.VectorSubcoreMesh(core_axis_name="c", subcore_axis_name="s")

    @functools.partial(
        pl.kernel, mesh=mesh,
        compiler_params=pltpu.CompilerParams(needs_layout_passes=False),
        out_type=jax.ShapeDtypeStruct((E, EMB), jnp.float32),
        scratch_types=[
            pltpu.VMEM((_GCHUNK,), jnp.int32),
            pltpu.VMEM((_GCHUNK, EMB), jnp.float32),
            pltpu.SemaphoreType.DMA,
        ],
    )
    def gather_k(src_hbm, xkj_hbm, out_hbm, idx_v, rows_v, sem):
        wid = lax.axis_index("s") * 2 + lax.axis_index("c")

        def body(j, carry):
            base = (wid + _NW * j) * _GCHUNK
            pltpu.sync_copy(src_hbm.at[pl.ds(base, _GCHUNK)], idx_v)
            pltpu.async_copy(xkj_hbm.at[idx_v], rows_v, sem).wait()
            pltpu.sync_copy(rows_v, out_hbm.at[pl.ds(base, _GCHUNK)])
            return carry

        lax.fori_loop(0, nchunks_per_w, body, 0)

    return gather_k(src, x_kj)


_DROWS = 10240
_NRANGE = (E + _DROWS - 1) // _DROWS
_NPASS = _NRANGE // 2
_TRIP = E // 16
_CAP = 10112
_DCHUNK = 128


def _sc_scatter(dst, msg):
    mesh = plsc.VectorSubcoreMesh(core_axis_name="c", subcore_axis_name="s")
    f32 = jnp.float32
    i32 = jnp.int32

    @functools.partial(
        pl.kernel, mesh=mesh,
        compiler_params=pltpu.CompilerParams(needs_layout_passes=False),
        out_type=jax.ShapeDtypeStruct((E, EMB), f32),
        scratch_types=[
            pltpu.VMEM((_TRIP,), i32),
            pltpu.VMEM((_CAP // _DCHUNK, _DCHUNK), i32),
            pltpu.VMEM((_CAP // _DCHUNK, _DCHUNK), i32),
            pltpu.VMEM((_DCHUNK, EMB), f32),
            pltpu.VMEM((16,), i32),
            pltpu.VMEM((8, EMB), f32),
            pltpu.VMEM_SHARED((_DROWS + 8, EMB), f32),
            pltpu.SemaphoreType.DMA,
        ],
    )
    def scatter_k(dst_hbm, msg_hbm, out_hbm,
                  dst_v, widx2, loc2, rows_v, off_v, zeros_v, accum, sem):
        c = lax.axis_index("c")
        s = lax.axis_index("s")
        s_start = s * _TRIP
        garbage = _DROWS

        def zbody(r, _):
            for g in range(EMB // 16):
                zeros_v[r, pl.ds(g * 16, 16)] = jnp.zeros((16,), f32)
            return 0
        lax.fori_loop(0, 8, zbody, 0)
        pltpu.sync_copy(dst_hbm.at[pl.ds(s_start, _TRIP)], dst_v)

        def one_pass(p, _):
            b = 2 * p + c
            lo = b * _DROWS

            @pl.when(b < _NRANGE)
            def _run():
                _pass_body(lo)
            return 0

        def _pass_body(lo):

            def azb(q, _):
                pltpu.sync_copy(
                    zeros_v, accum.at[pl.ds(s * (_DROWS // 16) + q * 8, 8)])
                return 0
            lax.fori_loop(0, _DROWS // 16 // 8, azb, 0)

            @pl.when(s == 0)
            def _():
                pltpu.sync_copy(zeros_v.at[pl.ds(0, 8)],
                                accum.at[pl.ds(_DROWS, 8)])

            plsc.subcore_barrier()

            lane = lax.iota(i32, 16)

            off_v[...] = jnp.zeros((16,), i32)

            def fbody(v, _):
                d = dst_v[pl.ds(v * 16, 16)]
                dm = d - lo
                ind = (jnp.minimum(jnp.maximum(dm + 1, 0), 1)
                       * jnp.minimum(jnp.maximum(_DROWS - dm, 0), 1))
                mask = ind > 0
                w = (s_start + v * 16) + lane
                off_vec = off_v[...]
                pos = off_vec * 16 + lane
                prow = pos // _DCHUNK
                pcol = pos - prow * _DCHUNK
                plsc.store_scatter(widx2, [prow, pcol], w, mask=mask)
                plsc.store_scatter(loc2, [prow, pcol], dm, mask=mask)
                off_v[...] = off_vec + ind
                return 0

            lax.fori_loop(0, _TRIP // 16, fbody, 0)
            nmax = jnp.max(off_v[...])
            nchunks = (nmax * 16 + _DCHUNK - 1) // _DCHUNK

            zero16 = jnp.zeros((16,), i32)
            garb16 = jnp.full((16,), garbage, i32)

            def cbody(rr, _):
                rrv = zero16 + rr
                offv = off_v[...]
                for g in range(_DCHUNK // 16):
                    empty = (rrv * 8 + g) >= offv
                    col = g * 16 + lane
                    plsc.store_scatter(widx2, [rrv, col], zero16, mask=empty)
                    plsc.store_scatter(loc2, [rrv, col], garb16, mask=empty)
                return 0
            lax.fori_loop(0, nchunks, cbody, 0)

            def gbody(j, _):
                pltpu.async_copy(msg_hbm.at[widx2.at[j]], rows_v, sem).wait()
                pltpu.sync_copy(rows_v, accum.at[loc2.at[j]], add=True)
                return 0
            lax.fori_loop(0, nchunks, gbody, 0)

            plsc.subcore_barrier()

            rps = _DROWS // 16
            @pl.when(lo + (s + 1) * rps <= E)
            def _dump():
                pltpu.sync_copy(accum.at[pl.ds(s * rps, rps)],
                                out_hbm.at[pl.ds(lo + s * rps, rps)])
            plsc.subcore_barrier()

        lax.fori_loop(0, _NPASS, one_pass, 0)

    return scatter_k(dst, msg)


def kernel(m, rbf, sbf, lg_edge_index, W_rbf, W_sbf, W_ji, b_ji, W_kj, b_kj,
           W_bilin, rb1_W1, rb1_b1, rb1_W2, rb1_b2, W_final, b_final,
           ra1_W1, ra1_b1, ra1_W2, ra1_b2, ra2_W1, ra2_b1, ra2_W2, ra2_b2):
    src = lg_edge_index[0]
    dst = lg_edge_index[1]

    x_ji, x_kj, sbf_p = _edge_transform(m, rbf, sbf, W_rbf, W_ji, b_ji,
                                        W_kj, b_kj, W_sbf)

    xk = _sc_gather(src, x_kj)

    Wb = jnp.reshape(jnp.transpose(W_bilin, (2, 1, 0)), (EMB, NB * EMB))
    msg = _bilinear(xk, sbf_p, Wb)

    m_update = _sc_scatter(dst, msg)

    return _residual_stack(m_update, x_ji, m, rb1_W1, rb1_b1, rb1_W2, rb1_b2,
                           W_final, b_final, ra1_W1, ra1_b1, ra1_W2, ra1_b2,
                           ra2_W1, ra2_b1, ra2_W2, ra2_b2)

# --- scband reference (transcript-rebuilt; emitter-appended) ---
"""Pipeline reference for scband-interaction-block-9208409883360 (READ-ONLY COPY).

The authoritative reference and input builder live on the scoring server;
editing this copy changes nothing except your own understanding.
"""

import jax, jax.numpy as jnp
import numpy as np

E = 160000
E2 = 160000
EMB = 128
NR = 6
NS = 7
NB = 8


def setup_inputs(seed: int = 0) -> dict:
    key = jax.random.key(seed)
    ks = jax.random.split(key, 24)

    def w(k, shape, fan_in):
        return jax.random.normal(k, shape, dtype=jnp.float32) * (1.0 / np.sqrt(fan_in))

    inp = {}
    inp['m'] = jax.random.normal(ks[0], (E, EMB), dtype=jnp.float32)
    inp['rbf'] = jax.random.normal(ks[1], (E, NR), dtype=jnp.float32)
    inp['sbf'] = jax.random.normal(ks[2], (E2, NR * NS), dtype=jnp.float32)
    inp['lg_edge_index'] = jax.random.randint(ks[3], (2, E2), 0, E, dtype=jnp.int32)
    inp['W_rbf'] = w(ks[4], (NR, EMB), NR)
    inp['W_sbf'] = w(ks[5], (NR * NS, NB), NR * NS)
    inp['W_ji'] = w(ks[6], (EMB, EMB), EMB)
    inp['b_ji'] = jnp.zeros((EMB,), dtype=jnp.float32)
    inp['W_kj'] = w(ks[7], (EMB, EMB), EMB)
    inp['b_kj'] = jnp.zeros((EMB,), dtype=jnp.float32)
    inp['W_bilin'] = jax.random.normal(ks[8], (EMB, NB, EMB), dtype=jnp.float32) * (2.0 / EMB)
    inp['rb1_W1'] = w(ks[9], (EMB, EMB), EMB)
    inp['rb1_b1'] = jnp.zeros((EMB,), dtype=jnp.float32)
    inp['rb1_W2'] = w(ks[10], (EMB, EMB), EMB)
    inp['rb1_b2'] = jnp.zeros((EMB,), dtype=jnp.float32)
    inp['W_final'] = w(ks[11], (EMB, EMB), EMB)
    inp['b_final'] = jnp.zeros((EMB,), dtype=jnp.float32)
    inp['ra1_W1'] = w(ks[12], (EMB, EMB), EMB)
    inp['ra1_b1'] = jnp.zeros((EMB,), dtype=jnp.float32)
    inp['ra1_W2'] = w(ks[13], (EMB, EMB), EMB)
    inp['ra1_b2'] = jnp.zeros((EMB,), dtype=jnp.float32)
    inp['ra2_W1'] = w(ks[14], (EMB, EMB), EMB)
    inp['ra2_b1'] = jnp.zeros((EMB,), dtype=jnp.float32)
    inp['ra2_W2'] = w(ks[15], (EMB, EMB), EMB)
    inp['ra2_b2'] = jnp.zeros((EMB,), dtype=jnp.float32)
    return inp


def reference(m, rbf, sbf, lg_edge_index, W_rbf, W_sbf, W_ji, b_ji, W_kj, b_kj, W_bilin,
              rb1_W1, rb1_b1, rb1_W2, rb1_b2, W_final, b_final,
              ra1_W1, ra1_b1, ra1_W2, ra1_b2, ra2_W1, ra2_b1, ra2_W2, ra2_b2):
    src = lg_edge_index[0]
    dst = lg_edge_index[1]
    # edge_transfer on g (activation=None)
    rbf_p = rbf @ W_rbf                     # [E, EMB]
    x_ji = m @ W_ji + b_ji                  # [E, EMB]
    x_kj = (m @ W_kj + b_kj) * rbf_p        # [E, EMB]
    # msg_func on line graph l_g
    sbf_p = sbf @ W_sbf                     # [E2, NB]
    xk = jnp.take(x_kj, src, axis=0)        # gather src edge feats [E2, EMB]
    # einsum('wj,wl,ijl->wi') as matmul + weighted sum over j
    Wb = jnp.reshape(jnp.transpose(W_bilin, (2, 1, 0)), (EMB, NB * EMB))
    t = (xk @ Wb).reshape(-1, NB, EMB)      # [E2, NB, EMB]
    msg = jnp.sum(sbf_p[:, :, None] * t, axis=1)  # [E2, EMB]
    # fn.sum aggregation onto dst edges of g
    m_update = jax.ops.segment_sum(msg, dst, num_segments=E)
    m_update = m_update + x_ji
    # residual layers before skip (activation=None => identity act)
    h = m_update
    h = h + ((h @ rb1_W1 + rb1_b1) @ rb1_W2 + rb1_b2)
    h = h @ W_final + b_final
    out = m + h
    # residual layers after skip
    out = out + ((out @ ra1_W1 + ra1_b1) @ ra1_W2 + ra1_b2)
    out = out + ((out @ ra2_W1 + ra2_b1) @ ra2_W2 + ra2_b2)
    return out

if __name__ == "__main__":
    import jax
    _d = setup_inputs()
    print(jax.jit(kernel)(*tuple(_d.values())))

</pallas_src>

<mosaic_0001>
#map = affine_map<(d0, d1) -> (0)>
#map1 = affine_map<(d0, d1) -> (0, 0)>
module attributes {stable_mosaic.version = 14 : i64} {
  func.func @scatter_k(%arg0: i32, %arg1: i32, %arg2: memref<160000xi32, #tpu.memory_space<hbm>>, %arg3: memref<160000x128xf32, #tpu.memory_space<hbm>>, %arg4: memref<160000x128xf32, #tpu.memory_space<hbm>>, %arg5: memref<10000xi32, #tpu.memory_space<vmem>>, %arg6: memref<79x128xi32, #tpu.memory_space<vmem>>, %arg7: memref<79x128xi32, #tpu.memory_space<vmem>>, %arg8: memref<128x128xf32, #tpu.memory_space<vmem>>, %arg9: memref<16xi32, #tpu.memory_space<vmem>>, %arg10: memref<8x128xf32, #tpu.memory_space<vmem>>, %arg11: memref<10248x128xf32, #tpu.memory_space<vmem_shared>>, %arg12: memref<!tpu.dma_semaphore, #tpu.memory_space<semaphore_mem>>) attributes {dimension_semantics = [#tpu.dimension_semantics<core_parallel>, #tpu.dimension_semantics<subcore_parallel>], iteration_bounds = array<i64: 2, 16>, scalar_prefetch = 0 : i64, scratch_operands = 8 : i64, tpu.core_type = #tpu.core_type<sc_vector_subcore>, window_params = [{transform_indices = #map}, {transform_indices = #map1}, {transform_indices = #map1}]} {
    %mul3A = arith.constant 10000 : i32
    %mul3A_0 = arith.muli %arg1, %mul3A : i32
    %scan3A = arith.constant 0 : i32
    %scan3A_1 = arith.constant 0 : i32
    %scan3A_2 = arith.constant 8 : i32
    %scan3A_3 = arith.addi %scan3A_1, %scan3A_2 : i32
    %scan3A_4 = arith.constant 1 : i32
    %scan3A_5 = scf.for %scan3A_14 = %scan3A_1 to %scan3A_3 step %scan3A_4 iter_args(%scan3A_15 = %scan3A) -> (i32)  : i32 {
      %broadcast_in_dim3A = arith.constant 0.000000e+00 : f32
      %broadcast_in_dim3A_16 = vector.broadcast %broadcast_in_dim3A : f32 to vector<16xf32>
      %swap3A = arith.index_cast %scan3A_14 : i32 to index
      %swap3A_17 = arith.constant 0 : index
      %swap3A_18 = tpu.vector_load %arg10[%swap3A, %swap3A_17] {strides = array<i32>} : memref<8x128xf32, #tpu.memory_space<vmem>>, vector<16xf32>,
      tpu.vector_store %arg10[%swap3A, %swap3A_17], %broadcast_in_dim3A_16 {strides = array<i32>} : memref<8x128xf32, #tpu.memory_space<vmem>>, vector<16xf32>,
      %broadcast_in_dim3A_19 = arith.constant 0.000000e+00 : f32
      %broadcast_in_dim3A_20 = vector.broadcast %broadcast_in_dim3A_19 : f32 to vector<16xf32>
      %swap3A_21 = arith.index_cast %scan3A_14 : i32 to index
      %swap3A_22 = arith.constant 16 : index
      %swap3A_23 = tpu.vector_load %arg10[%swap3A_21, %swap3A_22] {strides = array<i32>} : memref<8x128xf32, #tpu.memory_space<vmem>>, vector<16xf32>,
      tpu.vector_store %arg10[%swap3A_21, %swap3A_22], %broadcast_in_dim3A_20 {strides = array<i32>} : memref<8x128xf32, #tpu.memory_space<vmem>>, vector<16xf32>,
      %broadcast_in_dim3A_24 = arith.constant 0.000000e+00 : f32
      %broadcast_in_dim3A_25 = vector.broadcast %broadcast_in_dim3A_24 : f32 to vector<16xf32>
      %swap3A_26 = arith.index_cast %scan3A_14 : i32 to index
      %swap3A_27 = arith.constant 32 : index
      %swap3A_28 = tpu.vector_load %arg10[%swap3A_26, %swap3A_27] {strides = array<i32>} : memref<8x128xf32, #tpu.memory_space<vmem>>, vector<16xf32>,
      tpu.vector_store %arg10[%swap3A_26, %swap3A_27], %broadcast_in_dim3A_25 {strides = array<i32>} : memref<8x128xf32, #tpu.memory_space<vmem>>, vector<16xf32>,
      %broadcast_in_dim3A_29 = arith.constant 0.000000e+00 : f32
      %broadcast_in_dim3A_30 = vector.broadcast %broadcast_in_dim3A_29 : f32 to vector<16xf32>
      %swap3A_31 = arith.index_cast %scan3A_14 : i32 to index
      %swap3A_32 = arith.constant 48 : index
      %swap3A_33 = tpu.vector_load %arg10[%swap3A_31, %swap3A_32] {strides = array<i32>} : memref<8x128xf32, #tpu.memory_space<vmem>>, vector<16xf32>,
      tpu.vector_store %arg10[%swap3A_31, %swap3A_32], %broadcast_in_dim3A_30 {strides = array<i32>} : memref<8x128xf32, #tpu.memory_space<vmem>>, vector<16xf32>,
      %broadcast_in_dim3A_34 = arith.constant 0.000000e+00 : f32
      %broadcast_in_dim3A_35 = vector.broadcast %broadcast_in_dim3A_34 : f32 to vector<16xf32>
      %swap3A_36 = arith.index_cast %scan3A_14 : i32 to index
      %swap3A_37 = arith.constant 64 : index
      %swap3A_38 = tpu.vector_load %arg10[%swap3A_36, %swap3A_37] {strides = array<i32>} : memref<8x128xf32, #tpu.memory_space<vmem>>, vector<16xf32>,
      tpu.vector_store %arg10[%swap3A_36, %swap3A_37], %broadcast_in_dim3A_35 {strides = array<i32>} : memref<8x128xf32, #tpu.memory_space<vmem>>, vector<16xf32>,
      %broadcast_in_dim3A_39 = arith.constant 0.000000e+00 : f32
      %broadcast_in_dim3A_40 = vector.broadcast %broadcast_in_dim3A_39 : f32 to vector<16xf32>
      %swap3A_41 = arith.index_cast %scan3A_14 : i32 to index
      %swap3A_42 = arith.constant 80 : index
      %swap3A_43 = tpu.vector_load %arg10[%swap3A_41, %swap3A_42] {strides = array<i32>} : memref<8x128xf32, #tpu.memory_space<vmem>>, vector<16xf32>,
      tpu.vector_store %arg10[%swap3A_41, %swap3A_42], %broadcast_in_dim3A_40 {strides = array<i32>} : memref<8x128xf32, #tpu.memory_space<vmem>>, vector<16xf32>,
      %broadcast_in_dim3A_44 = arith.constant 0.000000e+00 : f32
      %broadcast_in_dim3A_45 = vector.broadcast %broadcast_in_dim3A_44 : f32 to vector<16xf32>
      %swap3A_46 = arith.index_cast %scan3A_14 : i32 to index
      %swap3A_47 = arith.constant 96 : index
      %swap3A_48 = tpu.vector_load %arg10[%swap3A_46, %swap3A_47] {strides = array<i32>} : memref<8x128xf32, #tpu.memory_space<vmem>>, vector<16xf32>,
      tpu.vector_store %arg10[%swap3A_46, %swap3A_47], %broadcast_in_dim3A_45 {strides = array<i32>} : memref<8x128xf32, #tpu.memory_space<vmem>>, vector<16xf32>,
      %broadcast_in_dim3A_49 = arith.constant 0.000000e+00 : f32
      %broadcast_in_dim3A_50 = vector.broadcast %broadcast_in_dim3A_49 : f32 to vector<16xf32>
      %swap3A_51 = arith.index_cast %scan3A_14 : i32 to index
      %swap3A_52 = arith.constant 112 : index
      %swap3A_53 = tpu.vector_load %arg10[%swap3A_51, %swap3A_52] {strides = array<i32>} : memref<8x128xf32, #tpu.memory_space<vmem>>, vector<16xf32>,
      tpu.vector_store %arg10[%swap3A_51, %swap3A_52], %broadcast_in_dim3A_50 {strides = array<i32>} : memref<8x128xf32, #tpu.memory_space<vmem>>, vector<16xf32>,
      %scan3A_54 = arith.constant 0 : i32
      scf.yield %scan3A_54 : i32
    }
    %scan3A_6 = arith.constant 8 : i32
    "tpu.region"() ({
      %run_scoped3A = tpu.sem_alloc : memref<!tpu.dma_semaphore, #tpu.memory_space<semaphore_mem>>
      %dma_start3A = tpu.memref_slice %arg2[%mul3A_0] : memref<160000xi32, #tpu.memory_space<hbm>> -> memref<10000xi32, #tpu.memory_space<hbm>>
      %dma_start3A_14 = tpu.memref_slice %arg2[%mul3A_0] : memref<160000xi32, #tpu.memory_space<hbm>> -> memref<10000xi32, #tpu.memory_space<hbm>>
      tpu.enqueue_dma source(%dma_start3A_14 : memref<10000xi32, #tpu.memory_space<hbm>>) target(%arg5 : memref<10000xi32, #tpu.memory_space<vmem>>) target_semaphore(%run_scoped3A : memref<!tpu.dma_semaphore, #tpu.memory_space<semaphore_mem>>)
      %dma_wait3A = tpu.memref_slice %arg2[%mul3A_0] : memref<160000xi32, #tpu.memory_space<hbm>> -> memref<10000xi32, #tpu.memory_space<hbm>>
      %dma_wait3A_15 = tpu.memref_slice %arg2[%mul3A_0] : memref<160000xi32, #tpu.memory_space<hbm>> -> memref<10000xi32, #tpu.memory_space<hbm>>
      tpu.wait_dma2 semaphore(%run_scoped3A : memref<!tpu.dma_semaphore, #tpu.memory_space<semaphore_mem>>) src(%dma_wait3A_15 : memref<10000xi32, #tpu.memory_space<hbm>>) dst(%arg5 : memref<10000xi32, #tpu.memory_space<vmem>>)
      tpu.yield
    }) : () -> ()
    %scan3A_7 = arith.constant 0 : i32
    %scan3A_8 = arith.constant 0 : i32
    %scan3A_9 = arith.constant 8 : i32
    %scan3A_10 = arith.addi %scan3A_8, %scan3A_9 : i32
    %scan3A_11 = arith.constant 1 : i32
    %scan3A_12 = scf.for %scan3A_14 = %scan3A_8 to %scan3A_10 step %scan3A_11 iter_args(%scan3A_15 = %scan3A_7) -> (i32)  : i32 {
      %mul3A_16 = arith.constant 2 : i32
      %mul3A_17 = arith.muli %mul3A_16, %scan3A_14 : i32
      %add3A = arith.addi %mul3A_17, %arg0 : i32
      %mul3A_18 = arith.constant 10240 : i32
      %mul3A_19 = arith.muli %add3A, %mul3A_18 : i32
      %lt3A = arith.constant 16 : i32
      %lt3A_20 = arith.cmpi slt, %add3A, %lt3A : i32
      %convert_element_type3A = arith.extui %lt3A_20 : i1 to i32
      %cond3A = arith.constant 0 : i32
      %cond3A_21 = arith.cmpi ne, %convert_element_type3A, %cond3A : i32
      scf.if %cond3A_21 {
        %scan3A_23 = arith.constant 0 : i32
        %scan3A_24 = arith.constant 0 : i32
        %scan3A_25 = arith.constant 80 : i32
        %scan3A_26 = arith.addi %scan3A_24, %scan3A_25 : i32
        %scan3A_27 = arith.constant 1 : i32
        %scan3A_28 = scf.for %scan3A_111 = %scan3A_24 to %scan3A_26 step %scan3A_27 iter_args(%scan3A_112 = %scan3A_23) -> (i32)  : i32 {
          %mul3A_113 = arith.constant 640 : i32
          %mul3A_114 = arith.muli %arg1, %mul3A_113 : i32
          %mul3A_115 = arith.constant 8 : i32
          %mul3A_116 = arith.muli %scan3A_111, %mul3A_115 : i32
          %add3A_117 = arith.addi %mul3A_114, %mul3A_116 : i32
          "tpu.region"() ({
            %run_scoped3A = tpu.sem_alloc : memref<!tpu.dma_semaphore, #tpu.memory_space<semaphore_mem>>
            %dma_start3A = arith.constant 0 : i32
            %dma_start3A_119 = tpu.memref_slice %arg11[%add3A_117, %dma_start3A] : memref<10248x128xf32, #tpu.memory_space<vmem_shared>> -> memref<8x128xf32, #tpu.memory_space<vmem_shared>>
            %dma_start3A_120 = arith.constant 0 : i32
            %dma_start3A_121 = tpu.memref_slice %arg11[%add3A_117, %dma_start3A_120] : memref<10248x128xf32, #tpu.memory_space<vmem_shared>> -> memref<8x128xf32, #tpu.memory_space<vmem_shared>>
            tpu.enqueue_dma source(%arg10 : memref<8x128xf32, #tpu.memory_space<vmem>>) target(%dma_start3A_121 : memref<8x128xf32, #tpu.memory_space<vmem_shared>>) target_semaphore(%run_scoped3A : memref<!tpu.dma_semaphore, #tpu.memory_space<semaphore_mem>>)
            %dma_wait3A = arith.constant 0 : i32
            %dma_wait3A_122 = tpu.memref_slice %arg11[%add3A_117, %dma_wait3A] : memref<10248x128xf32, #tpu.memory_space<vmem_shared>> -> memref<8x128xf32, #tpu.memory_space<vmem_shared>>
            %dma_wait3A_123 = arith.constant 0 : i32
            %dma_wait3A_124 = tpu.memref_slice %arg11[%add3A_117, %dma_wait3A_123] : memref<10248x128xf32, #tpu.memory_space<vmem_shared>> -> memref<8x128xf32, #tpu.memory_space<vmem_shared>>
            tpu.wait_dma2 semaphore(%run_scoped3A : memref<!tpu.dma_semaphore, #tpu.memory_space<semaphore_mem>>) src(%arg10 : memref<8x128xf32, #tpu.memory_space<vmem>>) dst(%dma_wait3A_124 : memref<8x128xf32, #tpu.memory_space<vmem_shared>>)
            tpu.yield
          }) : () -> ()
          %scan3A_118 = arith.constant 0 : i32
          scf.yield %scan3A_118 : i32
        }
        %scan3A_29 = arith.constant 80 : i32
        %eq3A = arith.constant 0 : i32
        %eq3A_30 = arith.cmpi eq, %arg1, %eq3A : i32
        %convert_element_type3A_31 = arith.extui %eq3A_30 : i1 to i32
        %cond3A_32 = arith.constant 0 : i32
        %cond3A_33 = arith.cmpi ne, %convert_element_type3A_31, %cond3A_32 : i32
        scf.if %cond3A_33 {
          "tpu.region"() ({
            %run_scoped3A = tpu.sem_alloc : memref<!tpu.dma_semaphore, #tpu.memory_space<semaphore_mem>>
            %dma_start3A = arith.constant 0 : i32
            %dma_start3A_111 = arith.constant 0 : i32
            %dma_start3A_112 = tpu.memref_slice %arg10[%dma_start3A, %dma_start3A_111] : memref<8x128xf32, #tpu.memory_space<vmem>> -> memref<8x128xf32, #tpu.memory_space<vmem>>
            %dma_start3A_113 = arith.constant 10240 : i32
            %dma_start3A_114 = arith.constant 0 : i32
            %dma_start3A_115 = tpu.memref_slice %arg11[%dma_start3A_113, %dma_start3A_114] : memref<10248x128xf32, #tpu.memory_space<vmem_shared>> -> memref<8x128xf32, #tpu.memory_space<vmem_shared>>
            %dma_start3A_116 = arith.constant 10240 : i32
            %dma_start3A_117 = arith.constant 0 : i32
            %dma_start3A_118 = tpu.memref_slice %arg11[%dma_start3A_116, %dma_start3A_117] : memref<10248x128xf32, #tpu.memory_space<vmem_shared>> -> memref<8x128xf32, #tpu.memory_space<vmem_shared>>
            %dma_start3A_119 = arith.constant 0 : i32
            %dma_start3A_120 = arith.constant 0 : i32
            %dma_start3A_121 = tpu.memref_slice %arg10[%dma_start3A_119, %dma_start3A_120] : memref<8x128xf32, #tpu.memory_space<vmem>> -> memref<8x128xf32, #tpu.memory_space<vmem>>
            tpu.enqueue_dma source(%dma_start3A_121 : memref<8x128xf32, #tpu.memory_space<vmem>>) target(%dma_start3A_118 : memref<8x128xf32, #tpu.memory_space<vmem_shared>>) target_semaphore(%run_scoped3A : memref<!tpu.dma_semaphore, #tpu.memory_space<semaphore_mem>>)
            %dma_wait3A = arith.constant 0 : i32
            %dma_wait3A_122 = arith.constant 0 : i32
            %dma_wait3A_123 = tpu.memref_slice %arg10[%dma_wait3A, %dma_wait3A_122] : memref<8x128xf32, #tpu.memory_space<vmem>> -> memref<8x128xf32, #tpu.memory_space<vmem>>
            %dma_wait3A_124 = arith.constant 10240 : i32
            %dma_wait3A_125 = arith.constant 0 : i32
            %dma_wait3A_126 = tpu.memref_slice %arg11[%dma_wait3A_124, %dma_wait3A_125] : memref<10248x128xf32, #tpu.memory_space<vmem_shared>> -> memref<8x128xf32, #tpu.memory_space<vmem_shared>>
            %dma_wait3A_127 = arith.constant 10240 : i32
            %dma_wait3A_128 = arith.constant 0 : i32
            %dma_wait3A_129 = tpu.memref_slice %arg11[%dma_wait3A_127, %dma_wait3A_128] : memref<10248x128xf32, #tpu.memory_space<vmem_shared>> -> memref<8x128xf32, #tpu.memory_space<vmem_shared>>
            %dma_wait3A_130 = arith.constant 0 : i32
            %dma_wait3A_131 = arith.constant 0 : i32
            %dma_wait3A_132 = tpu.memref_slice %arg10[%dma_wait3A_130, %dma_wait3A_131] : memref<8x128xf32, #tpu.memory_space<vmem>> -> memref<8x128xf32, #tpu.memory_space<vmem>>
            tpu.wait_dma2 semaphore(%run_scoped3A : memref<!tpu.dma_semaphore, #tpu.memory_space<semaphore_mem>>) src(%dma_wait3A_132 : memref<8x128xf32, #tpu.memory_space<vmem>>) dst(%dma_wait3A_129 : memref<8x128xf32, #tpu.memory_space<vmem_shared>>)
            tpu.yield
          }) : () -> ()
        } else {
        }
        %barrier3A = arith.constant 0 : index
        tpu.barrier barrier_id(%barrier3A)
        %iota3A = tpu.iota {dimensions = array<i32: 0>} : vector<16xi32>
        %broadcast_in_dim3A = arith.constant 0 : i32
        %broadcast_in_dim3A_34 = vector.broadcast %broadcast_in_dim3A : i32 to vector<16xi32>
        %swap3A = arith.constant 0 : index
        %swap3A_35 = tpu.vector_load %arg9[%swap3A] {strides = array<i32>} : memref<16xi32, #tpu.memory_space<vmem>>, vector<16xi32>,
        tpu.vector_store %arg9[%swap3A], %broadcast_in_dim3A_34 {strides = array<i32>} : memref<16xi32, #tpu.memory_space<vmem>>, vector<16xi32>,
        %scan3A_36 = arith.constant 0 : i32
        %scan3A_37 = arith.constant 0 : i32
        %scan3A_38 = arith.constant 625 : i32
        %scan3A_39 = arith.addi %scan3A_37, %scan3A_38 : i32
        %scan3A_40 = arith.constant 1 : i32
        %scan3A_41 = scf.for %scan3A_111 = %scan3A_37 to %scan3A_39 step %scan3A_40 iter_args(%scan3A_112 = %scan3A_36) -> (i32)  : i32 {
          %mul3A_113 = arith.constant 16 : i32
          %mul3A_114 = arith.muli %scan3A_111, %mul3A_113 : i32
          %get3A_115 = arith.index_cast %mul3A_114 : i32 to index
          %get3A_116 = tpu.vector_load %arg5[%get3A_115] {strides = array<i32>} : memref<10000xi32, #tpu.memory_space<vmem>>, vector<16xi32>,
          %sub3A_117 = vector.broadcast %mul3A_19 : i32 to vector<16xi32>
          %sub3A_118 = arith.subi %get3A_116, %sub3A_117 : vector<16xi32>
          %add3A_119 = arith.constant 1 : i32
          %add3A_120 = vector.broadcast %add3A_119 : i32 to vector<16xi32>
          %add3A_121 = arith.addi %sub3A_118, %add3A_120 : vector<16xi32>
          %max3A = arith.constant 0 : i32
          %max3A_122 = vector.broadcast %max3A : i32 to vector<16xi32>
          %max3A_123 = arith.maxsi %add3A_121, %max3A_122 : vector<16xi32>
          %min3A = arith.constant 1 : i32
          %min3A_124 = vector.broadcast %min3A : i32 to vector<16xi32>
          %min3A_125 = arith.minsi %max3A_123, %min3A_124 : vector<16xi32>
          %sub3A_126 = arith.constant 10240 : i32
          %sub3A_127 = vector.broadcast %sub3A_126 : i32 to vector<16xi32>
          %sub3A_128 = arith.subi %sub3A_127, %sub3A_118 : vector<16xi32>
          %max3A_129 = arith.constant 0 : i32
          %max3A_130 = vector.broadcast %max3A_129 : i32 to vector<16xi32>
          %max3A_131 = arith.maxsi %sub3A_128, %max3A_130 : vector<16xi32>
          %min3A_132 = arith.constant 1 : i32
          %min3A_133 = vector.broadcast %min3A_132 : i32 to vector<16xi32>
          %min3A_134 = arith.minsi %max3A_131, %min3A_133 : vector<16xi32>
          %mul3A_135 = arith.muli %min3A_125, %min3A_134 : vector<16xi32>
          %gt3A = arith.constant 0 : i32
          %gt3A_136 = vector.broadcast %gt3A : i32 to vector<16xi32>
          %gt3A_137 = arith.cmpi sgt, %mul3A_135, %gt3A_136 : vector<16xi32>
          %mul3A_138 = arith.constant 16 : i32
          %mul3A_139 = arith.muli %scan3A_111, %mul3A_138 : i32
          %add3A_140 = arith.addi %mul3A_0, %mul3A_139 : i32
          %add3A_141 = vector.broadcast %add3A_140 : i32 to vector<16xi32>
          %add3A_142 = arith.addi %add3A_141, %iota3A : vector<16xi32>
          %get3A_143 = arith.constant 0 : index
          %get3A_144 = tpu.vector_load %arg9[%get3A_143] {strides = array<i32>} : memref<16xi32, #tpu.memory_space<vmem>>, vector<16xi32>,
          %mul3A_145 = arith.constant 16 : i32
          %mul3A_146 = vector.broadcast %mul3A_145 : i32 to vector<16xi32>
          %mul3A_147 = arith.muli %get3A_144, %mul3A_146 : vector<16xi32>
          %add3A_148 = arith.addi %mul3A_147, %iota3A : vector<16xi32>
          %jit3A_149 = arith.constant 128 : i32
          %div3A_150 = vector.broadcast %jit3A_149 : i32 to vector<16xi32>
          %div3A_151 = arith.divsi %add3A_148, %div3A_150 : vector<16xi32>
          %sign3A_152 = arith.constant 0 : i32
          %sign3A_153 = vector.broadcast %sign3A_152 : i32 to vector<16xi32>
          %sign3A_154 = arith.cmpi sgt, %add3A_148, %sign3A_153 : vector<16xi32>
          %sign3A_155 = arith.extui %sign3A_154 : vector<16xi1> to vector<16xi32>
          %sign3A_156 = arith.constant 0 : i32
          %sign3A_157 = vector.broadcast %sign3A_156 : i32 to vector<16xi32>
          %sign3A_158 = arith.cmpi slt, %add3A_148, %sign3A_157 : vector<16xi32>
          %sign3A_159 = arith.extui %sign3A_158 : vector<16xi1> to vector<16xi32>
          %sign3A_160 = arith.subi %sign3A_155, %sign3A_159 : vector<16xi32>
          %sign3A_161 = arith.constant 0 : i32
          %sign3A_162 = arith.cmpi sgt, %jit3A_149, %sign3A_161 : i32
          %sign3A_163 = arith.extui %sign3A_162 : i1 to i32
          %sign3A_164 = arith.constant 0 : i32
          %sign3A_165 = arith.cmpi slt, %jit3A_149, %sign3A_164 : i32
          %sign3A_166 = arith.extui %sign3A_165 : i1 to i32
          %sign3A_167 = arith.subi %sign3A_163, %sign3A_166 : i32
          %ne3A_168 = vector.broadcast %sign3A_167 : i32 to vector<16xi32>
          %ne3A_169 = arith.cmpi ne, %sign3A_160, %ne3A_168 : vector<16xi32>
          %rem3A_170 = vector.broadcast %jit3A_149 : i32 to vector<16xi32>
          %rem3A_171 = arith.remsi %add3A_148, %rem3A_170 : vector<16xi32>
          %ne3A_172 = arith.constant 0 : i32
          %ne3A_173 = vector.broadcast %ne3A_172 : i32 to vector<16xi32>
          %ne3A_174 = arith.cmpi ne, %rem3A_171, %ne3A_173 : vector<16xi32>
          %and3A_175 = arith.andi %ne3A_169, %ne3A_174 : vector<16xi1>
          %sub3A_176 = arith.constant 1 : i32
          %sub3A_177 = vector.broadcast %sub3A_176 : i32 to vector<16xi32>
          %sub3A_178 = arith.subi %div3A_151, %sub3A_177 : vector<16xi32>
          %select_n3A_179 = arith.select %and3A_175, %sub3A_178, %div3A_151 : vector<16xi1>, vector<16xi32>
          %mul3A_180 = arith.constant 128 : i32
          %mul3A_181 = vector.broadcast %mul3A_180 : i32 to vector<16xi32>
          %mul3A_182 = arith.muli %select_n3A_179, %mul3A_181 : vector<16xi32>
          %sub3A_183 = arith.subi %add3A_148, %mul3A_182 : vector<16xi32>
          tpu.vector_store_idx %arg6[%select_n3A_179, %sub3A_183], %add3A_142 masked %gt3A_137 : memref<79x128xi32, #tpu.memory_space<vmem>>[vector<16xi32>, vector<16xi32>], vector<16xi32>, vector<16xi1>
          tpu.vector_store_idx %arg7[%select_n3A_179, %sub3A_183], %sub3A_118 masked %gt3A_137 : memref<79x128xi32, #tpu.memory_space<vmem>>[vector<16xi32>, vector<16xi32>], vector<16xi32>, vector<16xi1>
          %add3A_184 = arith.addi %get3A_144, %mul3A_135 : vector<16xi32>
          %swap3A_185 = arith.constant 0 : index
          %swap3A_186 = tpu.vector_load %arg9[%swap3A_185] {strides = array<i32>} : memref<16xi32, #tpu.memory_space<vmem>>, vector<16xi32>,
          tpu.vector_store %arg9[%swap3A_185], %add3A_184 {strides = array<i32>} : memref<16xi32, #tpu.memory_space<vmem>>, vector<16xi32>,
          %scan3A_187 = arith.constant 0 : i32
          scf.yield %scan3A_187 : i32
        }
        %scan3A_42 = arith.constant 625 : i32
        %get3A = arith.constant 0 : index
        %get3A_43 = tpu.vector_load %arg9[%get3A] {strides = array<i32>} : memref<16xi32, #tpu.memory_space<vmem>>, vector<16xi32>,
        %reduce_max3A = arith.constant true
        %reduce_max3A_44 = vector.broadcast %reduce_max3A : i1 to vector<16xi1>
        %reduce_max3A_45 = arith.constant -2147483648 : i32
        %reduce_max3A_46 = vector.broadcast %reduce_max3A_45 : i32 to vector<16xi32>
        %reduce_max3A_47 = arith.xori %get3A_43, %reduce_max3A_46 : vector<16xi32>
        %reduce_max3A_48 = tpu.scan <max>, %reduce_max3A_47 masked %reduce_max3A_44 : vector<16xi32>, vector<16xi1> -> vector<16xi32>
        %reduce_max3A_49 = arith.xori %reduce_max3A_48, %reduce_max3A_46 : vector<16xi32>
        %reduce_max3A_50 = vector.extract %reduce_max3A_49[15] : i32 from vector<16xi32>
        %mul3A_51 = arith.constant 16 : i32
        %mul3A_52 = arith.muli %reduce_max3A_50, %mul3A_51 : i32
        %add3A_53 = arith.constant 128 : i32
        %add3A_54 = arith.addi %mul3A_52, %add3A_53 : i32
        %sub3A = arith.constant 1 : i32
        %sub3A_55 = arith.subi %add3A_54, %sub3A : i32
        %jit3A = arith.constant 128 : i32
        %div3A = arith.divsi %sub3A_55, %jit3A : i32
        %sign3A = arith.constant 0 : i32
        %sign3A_56 = arith.cmpi sgt, %sub3A_55, %sign3A : i32
        %sign3A_57 = arith.extui %sign3A_56 : i1 to i32
        %sign3A_58 = arith.constant 0 : i32
        %sign3A_59 = arith.cmpi slt, %sub3A_55, %sign3A_58 : i32
        %sign3A_60 = arith.extui %sign3A_59 : i1 to i32
        %sign3A_61 = arith.subi %sign3A_57, %sign3A_60 : i32
        %sign3A_62 = arith.constant 0 : i32
        %sign3A_63 = arith.cmpi sgt, %jit3A, %sign3A_62 : i32
        %sign3A_64 = arith.extui %sign3A_63 : i1 to i32
        %sign3A_65 = arith.constant 0 : i32
        %sign3A_66 = arith.cmpi slt, %jit3A, %sign3A_65 : i32
        %sign3A_67 = arith.extui %sign3A_66 : i1 to i32
        %sign3A_68 = arith.subi %sign3A_64, %sign3A_67 : i32
        %ne3A = arith.cmpi ne, %sign3A_61, %sign3A_68 : i32
        %rem3A = arith.remsi %sub3A_55, %jit3A : i32
        %ne3A_69 = arith.constant 0 : i32
        %ne3A_70 = arith.cmpi ne, %rem3A, %ne3A_69 : i32
        %and3A = arith.andi %ne3A, %ne3A_70 : i1
        %sub3A_71 = arith.constant 1 : i32
        %sub3A_72 = arith.subi %div3A, %sub3A_71 : i32
        %select_n3A = arith.select %and3A, %sub3A_72, %div3A : i32
        %broadcast_in_dim3A_73 = arith.constant 0 : i32
        %broadcast_in_dim3A_74 = vector.broadcast %broadcast_in_dim3A_73 : i32 to vector<16xi32>
        %broadcast_in_dim3A_75 = arith.constant 10240 : i32
        %broadcast_in_dim3A_76 = vector.broadcast %broadcast_in_dim3A_75 : i32 to vector<16xi32>
        %while3A = arith.constant 0 : i32
        %while3A_77 = arith.constant 0 : i32
        %while3A_78 = arith.subi %select_n3A, %while3A : i32
        %while3A_79 = arith.addi %while3A, %while3A_78 : i32
        %while3A_80 = arith.constant 1 : i32
        %while3A_81 = arith.divsi %while3A_78, %while3A_80 : i32
        %while3A_82 = arith.muli %while3A_81, %while3A_80 : i32
        %while3A_83 = arith.addi %while3A, %while3A_82 : i32
        %while3A_84 = arith.constant 1 : i32
        %while3A_85 = scf.for %while3A_111 = %while3A to %while3A_83 step %while3A_84 iter_args(%while3A_112 = %while3A_77) -> (i32)  : i32 {
          %add3A_113 = vector.broadcast %while3A_111 : i32 to vector<16xi32>
          %add3A_114 = arith.addi %broadcast_in_dim3A_74, %add3A_113 : vector<16xi32>
          %get3A_115 = arith.constant 0 : index
          %get3A_116 = tpu.vector_load %arg9[%get3A_115] {strides = array<i32>} : memref<16xi32, #tpu.memory_space<vmem>>, vector<16xi32>,
          %mul3A_117 = arith.constant 8 : i32
          %mul3A_118 = vector.broadcast %mul3A_117 : i32 to vector<16xi32>
          %mul3A_119 = arith.muli %add3A_114, %mul3A_118 : vector<16xi32>
          %add3A_120 = arith.constant 0 : i32
          %add3A_121 = vector.broadcast %add3A_120 : i32 to vector<16xi32>
          %add3A_122 = arith.addi %mul3A_119, %add3A_121 : vector<16xi32>
          %ge3A = arith.cmpi sge, %add3A_122, %get3A_116 : vector<16xi32>
          %add3A_123 = arith.constant 0 : i32
          %add3A_124 = vector.broadcast %add3A_123 : i32 to vector<16xi32>
          %add3A_125 = arith.addi %add3A_124, %iota3A : vector<16xi32>
          tpu.vector_store_idx %arg6[%add3A_114, %add3A_125], %broadcast_in_dim3A_74 masked %ge3A : memref<79x128xi32, #tpu.memory_space<vmem>>[vector<16xi32>, vector<16xi32>], vector<16xi32>, vector<16xi1>
          tpu.vector_store_idx %arg7[%add3A_114, %add3A_125], %broadcast_in_dim3A_76 masked %ge3A : memref<79x128xi32, #tpu.memory_space<vmem>>[vector<16xi32>, vector<16xi32>], vector<16xi32>, vector<16xi1>
          %mul3A_126 = arith.constant 8 : i32
          %mul3A_127 = vector.broadcast %mul3A_126 : i32 to vector<16xi32>
          %mul3A_128 = arith.muli %add3A_114, %mul3A_127 : vector<16xi32>
          %add3A_129 = arith.constant 1 : i32
          %add3A_130 = vector.broadcast %add3A_129 : i32 to vector<16xi32>
          %add3A_131 = arith.addi %mul3A_128, %add3A_130 : vector<16xi32>
          %ge3A_132 = arith.cmpi sge, %add3A_131, %get3A_116 : vector<16xi32>
          %add3A_133 = arith.constant 16 : i32
          %add3A_134 = vector.broadcast %add3A_133 : i32 to vector<16xi32>
          %add3A_135 = arith.addi %add3A_134, %iota3A : vector<16xi32>
          tpu.vector_store_idx %arg6[%add3A_114, %add3A_135], %broadcast_in_dim3A_74 masked %ge3A_132 : memref<79x128xi32, #tpu.memory_space<vmem>>[vector<16xi32>, vector<16xi32>], vector<16xi32>, vector<16xi1>
          tpu.vector_store_idx %arg7[%add3A_114, %add3A_135], %broadcast_in_dim3A_76 masked %ge3A_132 : memref<79x128xi32, #tpu.memory_space<vmem>>[vector<16xi32>, vector<16xi32>], vector<16xi32>, vector<16xi1>
          %mul3A_136 = arith.constant 8 : i32
          %mul3A_137 = vector.broadcast %mul3A_136 : i32 to vector<16xi32>
          %mul3A_138 = arith.muli %add3A_114, %mul3A_137 : vector<16xi32>
          %add3A_139 = arith.constant 2 : i32
          %add3A_140 = vector.broadcast %add3A_139 : i32 to vector<16xi32>
          %add3A_141 = arith.addi %mul3A_138, %add3A_140 : vector<16xi32>
          %ge3A_142 = arith.cmpi sge, %add3A_141, %get3A_116 : vector<16xi32>
          %add3A_143 = arith.constant 32 : i32
          %add3A_144 = vector.broadcast %add3A_143 : i32 to vector<16xi32>
          %add3A_145 = arith.addi %add3A_144, %iota3A : vector<16xi32>
          tpu.vector_store_idx %arg6[%add3A_114, %add3A_145], %broadcast_in_dim3A_74 masked %ge3A_142 : memref<79x128xi32, #tpu.memory_space<vmem>>[vector<16xi32>, vector<16xi32>], vector<16xi32>, vector<16xi1>
          tpu.vector_store_idx %arg7[%add3A_114, %add3A_145], %broadcast_in_dim3A_76 masked %ge3A_142 : memref<79x128xi32, #tpu.memory_space<vmem>>[vector<16xi32>, vector<16xi32>], vector<16xi32>, vector<16xi1>
          %mul3A_146 = arith.constant 8 : i32
          %mul3A_147 = vector.broadcast %mul3A_146 : i32 to vector<16xi32>
          %mul3A_148 = arith.muli %add3A_114, %mul3A_147 : vector<16xi32>
          %add3A_149 = arith.constant 3 : i32
          %add3A_150 = vector.broadcast %add3A_149 : i32 to vector<16xi32>
          %add3A_151 = arith.addi %mul3A_148, %add3A_150 : vector<16xi32>
          %ge3A_152 = arith.cmpi sge, %add3A_151, %get3A_116 : vector<16xi32>
          %add3A_153 = arith.constant 48 : i32
          %add3A_154 = vector.broadcast %add3A_153 : i32 to vector<16xi32>
          %add3A_155 = arith.addi %add3A_154, %iota3A : vector<16xi32>
          tpu.vector_store_idx %arg6[%add3A_114, %add3A_155], %broadcast_in_dim3A_74 masked %ge3A_152 : memref<79x128xi32, #tpu.memory_space<vmem>>[vector<16xi32>, vector<16xi32>], vector<16xi32>, vector<16xi1>
          tpu.vector_store_idx %arg7[%add3A_114, %add3A_155], %broadcast_in_dim3A_76 masked %ge3A_152 : memref<79x128xi32, #tpu.memory_space<vmem>>[vector<16xi32>, vector<16xi32>], vector<16xi32>, vector<16xi1>
          %mul3A_156 = arith.constant 8 : i32
          %mul3A_157 = vector.broadcast %mul3A_156 : i32 to vector<16xi32>
          %mul3A_158 = arith.muli %add3A_114, %mul3A_157 : vector<16xi32>
          %add3A_159 = arith.constant 4 : i32
          %add3A_160 = vector.broadcast %add3A_159 : i32 to vector<16xi32>
          %add3A_161 = arith.addi %mul3A_158, %add3A_160 : vector<16xi32>
          %ge3A_162 = arith.cmpi sge, %add3A_161, %get3A_116 : vector<16xi32>
          %add3A_163 = arith.constant 64 : i32
          %add3A_164 = vector.broadcast %add3A_163 : i32 to vector<16xi32>
          %add3A_165 = arith.addi %add3A_164, %iota3A : vector<16xi32>
          tpu.vector_store_idx %arg6[%add3A_114, %add3A_165], %broadcast_in_dim3A_74 masked %ge3A_162 : memref<79x128xi32, #tpu.memory_space<vmem>>[vector<16xi32>, vector<16xi32>], vector<16xi32>, vector<16xi1>
          tpu.vector_store_idx %arg7[%add3A_114, %add3A_165], %broadcast_in_dim3A_76 masked %ge3A_162 : memref<79x128xi32, #tpu.memory_space<vmem>>[vector<16xi32>, vector<16xi32>], vector<16xi32>, vector<16xi1>
          %mul3A_166 = arith.constant 8 : i32
          %mul3A_167 = vector.broadcast %mul3A_166 : i32 to vector<16xi32>
          %mul3A_168 = arith.muli %add3A_114, %mul3A_167 : vector<16xi32>
          %add3A_169 = arith.constant 5 : i32
          %add3A_170 = vector.broadcast %add3A_169 : i32 to vector<16xi32>
          %add3A_171 = arith.addi %mul3A_168, %add3A_170 : vector<16xi32>
          %ge3A_172 = arith.cmpi sge, %add3A_171, %get3A_116 : vector<16xi32>
          %add3A_173 = arith.constant 80 : i32
          %add3A_174 = vector.broadcast %add3A_173 : i32 to vector<16xi32>
          %add3A_175 = arith.addi %add3A_174, %iota3A : vector<16xi32>
          tpu.vector_store_idx %arg6[%add3A_114, %add3A_175], %broadcast_in_dim3A_74 masked %ge3A_172 : memref<79x128xi32, #tpu.memory_space<vmem>>[vector<16xi32>, vector<16xi32>], vector<16xi32>, vector<16xi1>
          tpu.vector_store_idx %arg7[%add3A_114, %add3A_175], %broadcast_in_dim3A_76 masked %ge3A_172 : memref<79x128xi32, #tpu.memory_space<vmem>>[vector<16xi32>, vector<16xi32>], vector<16xi32>, vector<16xi1>
          %mul3A_176 = arith.constant 8 : i32
          %mul3A_177 = vector.broadcast %mul3A_176 : i32 to vector<16xi32>
          %mul3A_178 = arith.muli %add3A_114, %mul3A_177 : vector<16xi32>
          %add3A_179 = arith.constant 6 : i32
          %add3A_180 = vector.broadcast %add3A_179 : i32 to vector<16xi32>
          %add3A_181 = arith.addi %mul3A_178, %add3A_180 : vector<16xi32>
          %ge3A_182 = arith.cmpi sge, %add3A_181, %get3A_116 : vector<16xi32>
          %add3A_183 = arith.constant 96 : i32
          %add3A_184 = vector.broadcast %add3A_183 : i32 to vector<16xi32>
          %add3A_185 = arith.addi %add3A_184, %iota3A : vector<16xi32>
          tpu.vector_store_idx %arg6[%add3A_114, %add3A_185], %broadcast_in_dim3A_74 masked %ge3A_182 : memref<79x128xi32, #tpu.memory_space<vmem>>[vector<16xi32>, vector<16xi32>], vector<16xi32>, vector<16xi1>
          tpu.vector_store_idx %arg7[%add3A_114, %add3A_185], %broadcast_in_dim3A_76 masked %ge3A_182 : memref<79x128xi32, #tpu.memory_space<vmem>>[vector<16xi32>, vector<16xi32>], vector<16xi32>, vector<16xi1>
          %mul3A_186 = arith.constant 8 : i32
          %mul3A_187 = vector.broadcast %mul3A_186 : i32 to vector<16xi32>
          %mul3A_188 = arith.muli %add3A_114, %mul3A_187 : vector<16xi32>
          %add3A_189 = arith.constant 7 : i32
          %add3A_190 = vector.broadcast %add3A_189 : i32 to vector<16xi32>
          %add3A_191 = arith.addi %mul3A_188, %add3A_190 : vector<16xi32>
          %ge3A_192 = arith.cmpi sge, %add3A_191, %get3A_116 : vector<16xi32>
          %add3A_193 = arith.constant 112 : i32
          %add3A_194 = vector.broadcast %add3A_193 : i32 to vector<16xi32>
          %add3A_195 = arith.addi %add3A_194, %iota3A : vector<16xi32>
          tpu.vector_store_idx %arg6[%add3A_114, %add3A_195], %broadcast_in_dim3A_74 masked %ge3A_192 : memref<79x128xi32, #tpu.memory_space<vmem>>[vector<16xi32>, vector<16xi32>], vector<16xi32>, vector<16xi1>
          tpu.vector_store_idx %arg7[%add3A_114, %add3A_195], %broadcast_in_dim3A_76 masked %ge3A_192 : memref<79x128xi32, #tpu.memory_space<vmem>>[vector<16xi32>, vector<16xi32>], vector<16xi32>, vector<16xi1>
          %while3A_196 = arith.constant 0 : i32
          scf.yield %while3A_196 : i32
        }
        %while3A_86 = arith.constant 1 : i32
        %while3A_87 = scf.for %while3A_111 = %while3A_83 to %while3A_79 step %while3A_86 iter_args(%while3A_112 = %while3A_85) -> (i32)  : i32 {
          %add3A_113 = vector.broadcast %while3A_111 : i32 to vector<16xi32>
          %add3A_114 = arith.addi %broadcast_in_dim3A_74, %add3A_113 : vector<16xi32>
          %get3A_115 = arith.constant 0 : index
          %get3A_116 = tpu.vector_load %arg9[%get3A_115] {strides = array<i32>} : memref<16xi32, #tpu.memory_space<vmem>>, vector<16xi32>,
          %mul3A_117 = arith.constant 8 : i32
          %mul3A_118 = vector.broadcast %mul3A_117 : i32 to vector<16xi32>
          %mul3A_119 = arith.muli %add3A_114, %mul3A_118 : vector<16xi32>
          %add3A_120 = arith.constant 0 : i32
          %add3A_121 = vector.broadcast %add3A_120 : i32 to vector<16xi32>
          %add3A_122 = arith.addi %mul3A_119, %add3A_121 : vector<16xi32>
          %ge3A = arith.cmpi sge, %add3A_122, %get3A_116 : vector<16xi32>
          %add3A_123 = arith.constant 0 : i32
          %add3A_124 = vector.broadcast %add3A_123 : i32 to vector<16xi32>
          %add3A_125 = arith.addi %add3A_124, %iota3A : vector<16xi32>
          tpu.vector_store_idx %arg6[%add3A_114, %add3A_125], %broadcast_in_dim3A_74 masked %ge3A : memref<79x128xi32, #tpu.memory_space<vmem>>[vector<16xi32>, vector<16xi32>], vector<16xi32>, vector<16xi1>
          tpu.vector_store_idx %arg7[%add3A_114, %add3A_125], %broadcast_in_dim3A_76 masked %ge3A : memref<79x128xi32, #tpu.memory_space<vmem>>[vector<16xi32>, vector<16xi32>], vector<16xi32>, vector<16xi1>
          %mul3A_126 = arith.constant 8 : i32
          %mul3A_127 = vector.broadcast %mul3A_126 : i32 to vector<16xi32>
          %mul3A_128 = arith.muli %add3A_114, %mul3A_127 : vector<16xi32>
          %add3A_129 = arith.constant 1 : i32
          %add3A_130 = vector.broadcast %add3A_129 : i32 to vector<16xi32>
          %add3A_131 = arith.addi %mul3A_128, %add3A_130 : vector<16xi32>
          %ge3A_132 = arith.cmpi sge, %add3A_131, %get3A_116 : vector<16xi32>
          %add3A_133 = arith.constant 16 : i32
          %add3A_134 = vector.broadcast %add3A_133 : i32 to vector<16xi32>
          %add3A_135 = arith.addi %add3A_134, %iota3A : vector<16xi32>
          tpu.vector_store_idx %arg6[%add3A_114, %add3A_135], %broadcast_in_dim3A_74 masked %ge3A_132 : memref<79x128xi32, #tpu.memory_space<vmem>>[vector<16xi32>, vector<16xi32>], vector<16xi32>, vector<16xi1>
          tpu.vector_store_idx %arg7[%add3A_114, %add3A_135], %broadcast_in_dim3A_76 masked %ge3A_132 : memref<79x128xi32, #tpu.memory_space<vmem>>[vector<16xi32>, vector<16xi32>], vector<16xi32>, vector<16xi1>
          %mul3A_136 = arith.constant 8 : i32
          %mul3A_137 = vector.broadcast %mul3A_136 : i32 to vector<16xi32>
          %mul3A_138 = arith.muli %add3A_114, %mul3A_137 : vector<16xi32>
          %add3A_139 = arith.constant 2 : i32
          %add3A_140 = vector.broadcast %add3A_139 : i32 to vector<16xi32>
          %add3A_141 = arith.addi %mul3A_138, %add3A_140 : vector<16xi32>
          %ge3A_142 = arith.cmpi sge, %add3A_141, %get3A_116 : vector<16xi32>
          %add3A_143 = arith.constant 32 : i32
          %add3A_144 = vector.broadcast %add3A_143 : i32 to vector<16xi32>
          %add3A_145 = arith.addi %add3A_144, %iota3A : vector<16xi32>
          tpu.vector_store_idx %arg6[%add3A_114, %add3A_145], %broadcast_in_dim3A_74 masked %ge3A_142 : memref<79x128xi32, #tpu.memory_space<vmem>>[vector<16xi32>, vector<16xi32>], vector<16xi32>, vector<16xi1>
          tpu.vector_store_idx %arg7[%add3A_114, %add3A_145], %broadcast_in_dim3A_76 masked %ge3A_142 : memref<79x128xi32, #tpu.memory_space<vmem>>[vector<16xi32>, vector<16xi32>], vector<16xi32>, vector<16xi1>
          %mul3A_146 = arith.constant 8 : i32
          %mul3A_147 = vector.broadcast %mul3A_146 : i32 to vector<16xi32>
          %mul3A_148 = arith.muli %add3A_114, %mul3A_147 : vector<16xi32>
          %add3A_149 = arith.constant 3 : i32
          %add3A_150 = vector.broadcast %add3A_149 : i32 to vector<16xi32>
          %add3A_151 = arith.addi %mul3A_148, %add3A_150 : vector<16xi32>
          %ge3A_152 = arith.cmpi sge, %add3A_151, %get3A_116 : vector<16xi32>
          %add3A_153 = arith.constant 48 : i32
          %add3A_154 = vector.broadcast %add3A_153 : i32 to vector<16xi32>
          %add3A_155 = arith.addi %add3A_154, %iota3A : vector<16xi32>
          tpu.vector_store_idx %arg6[%add3A_114, %add3A_155], %broadcast_in_dim3A_74 masked %ge3A_152 : memref<79x128xi32, #tpu.memory_space<vmem>>[vector<16xi32>, vector<16xi32>], vector<16xi32>, vector<16xi1>
          tpu.vector_store_idx %arg7[%add3A_114, %add3A_155], %broadcast_in_dim3A_76 masked %ge3A_152 : memref<79x128xi32, #tpu.memory_space<vmem>>[vector<16xi32>, vector<16xi32>], vector<16xi32>, vector<16xi1>
          %mul3A_156 = arith.constant 8 : i32
          %mul3A_157 = vector.broadcast %mul3A_156 : i32 to vector<16xi32>
          %mul3A_158 = arith.muli %add3A_114, %mul3A_157 : vector<16xi32>
          %add3A_159 = arith.constant 4 : i32
          %add3A_160 = vector.broadcast %add3A_159 : i32 to vector<16xi32>
          %add3A_161 = arith.addi %mul3A_158, %add3A_160 : vector<16xi32>
          %ge3A_162 = arith.cmpi sge, %add3A_161, %get3A_116 : vector<16xi32>
          %add3A_163 = arith.constant 64 : i32
          %add3A_164 = vector.broadcast %add3A_163 : i32 to vector<16xi32>
          %add3A_165 = arith.addi %add3A_164, %iota3A : vector<16xi32>
          tpu.vector_store_idx %arg6[%add3A_114, %add3A_165], %broadcast_in_dim3A_74 masked %ge3A_162 : memref<79x128xi32, #tpu.memory_space<vmem>>[vector<16xi32>, vector<16xi32>], vector<16xi32>, vector<16xi1>
          tpu.vector_store_idx %arg7[%add3A_114, %add3A_165], %broadcast_in_dim3A_76 masked %ge3A_162 : memref<79x128xi32, #tpu.memory_space<vmem>>[vector<16xi32>, vector<16xi32>], vector<16xi32>, vector<16xi1>
          %mul3A_166 = arith.constant 8 : i32
          %mul3A_167 = vector.broadcast %mul3A_166 : i32 to vector<16xi32>
          %mul3A_168 = arith.muli %add3A_114, %mul3A_167 : vector<16xi32>
          %add3A_169 = arith.constant 5 : i32
          %add3A_170 = vector.broadcast %add3A_169 : i32 to vector<16xi32>
          %add3A_171 = arith.addi %mul3A_168, %add3A_170 : vector<16xi32>
          %ge3A_172 = arith.cmpi sge, %add3A_171, %get3A_116 : vector<16xi32>
          %add3A_173 = arith.constant 80 : i32
          %add3A_174 = vector.broadcast %add3A_173 : i32 to vector<16xi32>
          %add3A_175 = arith.addi %add3A_174, %iota3A : vector<16xi32>
          tpu.vector_store_idx %arg6[%add3A_114, %add3A_175], %broadcast_in_dim3A_74 masked %ge3A_172 : memref<79x128xi32, #tpu.memory_space<vmem>>[vector<16xi32>, vector<16xi32>], vector<16xi32>, vector<16xi1>
          tpu.vector_store_idx %arg7[%add3A_114, %add3A_175], %broadcast_in_dim3A_76 masked %ge3A_172 : memref<79x128xi32, #tpu.memory_space<vmem>>[vector<16xi32>, vector<16xi32>], vector<16xi32>, vector<16xi1>
          %mul3A_176 = arith.constant 8 : i32
          %mul3A_177 = vector.broadcast %mul3A_176 : i32 to vector<16xi32>
          %mul3A_178 = arith.muli %add3A_114, %mul3A_177 : vector<16xi32>
          %add3A_179 = arith.constant 6 : i32
          %add3A_180 = vector.broadcast %add3A_179 : i32 to vector<16xi32>
          %add3A_181 = arith.addi %mul3A_178, %add3A_180 : vector<16xi32>
          %ge3A_182 = arith.cmpi sge, %add3A_181, %get3A_116 : vector<16xi32>
          %add3A_183 = arith.constant 96 : i32
          %add3A_184 = vector.broadcast %add3A_183 : i32 to vector<16xi32>
          %add3A_185 = arith.addi %add3A_184, %iota3A : vector<16xi32>
          tpu.vector_store_idx %arg6[%add3A_114, %add3A_185], %broadcast_in_dim3A_74 masked %ge3A_182 : memref<79x128xi32, #tpu.memory_space<vmem>>[vector<16xi32>, vector<16xi32>], vector<16xi32>, vector<16xi1>
          tpu.vector_store_idx %arg7[%add3A_114, %add3A_185], %broadcast_in_dim3A_76 masked %ge3A_182 : memref<79x128xi32, #tpu.memory_space<vmem>>[vector<16xi32>, vector<16xi32>], vector<16xi32>, vector<16xi1>
          %mul3A_186 = arith.constant 8 : i32
          %mul3A_187 = vector.broadcast %mul3A_186 : i32 to vector<16xi32>
          %mul3A_188 = arith.muli %add3A_114, %mul3A_187 : vector<16xi32>
          %add3A_189 = arith.constant 7 : i32
          %add3A_190 = vector.broadcast %add3A_189 : i32 to vector<16xi32>
          %add3A_191 = arith.addi %mul3A_188, %add3A_190 : vector<16xi32>
          %ge3A_192 = arith.cmpi sge, %add3A_191, %get3A_116 : vector<16xi32>
          %add3A_193 = arith.constant 112 : i32
          %add3A_194 = vector.broadcast %add3A_193 : i32 to vector<16xi32>
          %add3A_195 = arith.addi %add3A_194, %iota3A : vector<16xi32>
          tpu.vector_store_idx %arg6[%add3A_114, %add3A_195], %broadcast_in_dim3A_74 masked %ge3A_192 : memref<79x128xi32, #tpu.memory_space<vmem>>[vector<16xi32>, vector<16xi32>], vector<16xi32>, vector<16xi1>
          tpu.vector_store_idx %arg7[%add3A_114, %add3A_195], %broadcast_in_dim3A_76 masked %ge3A_192 : memref<79x128xi32, #tpu.memory_space<vmem>>[vector<16xi32>, vector<16xi32>], vector<16xi32>, vector<16xi1>
          %while3A_196 = arith.constant 0 : i32
          scf.yield %while3A_196 : i32
        }
        %while3A_88 = arith.constant 0 : i32
        %while3A_89 = arith.constant 0 : i32
        %while3A_90 = arith.subi %select_n3A, %while3A_88 : i32
        %while3A_91 = arith.addi %while3A_88, %while3A_90 : i32
        %while3A_92 = arith.constant 1 : i32
        %while3A_93 = arith.divsi %while3A_90, %while3A_92 : i32
        %while3A_94 = arith.muli %while3A_93, %while3A_92 : i32
        %while3A_95 = arith.addi %while3A_88, %while3A_94 : i32
        %while3A_96 = arith.constant 1 : i32
        %while3A_97 = scf.for %while3A_111 = %while3A_88 to %while3A_95 step %while3A_96 iter_args(%while3A_112 = %while3A_89) -> (i32)  : i32 {
          %dma_start3A = arith.constant 0 : i32
          %dma_start3A_113 = tpu.memref_slice %arg6[%while3A_111, %dma_start3A] : memref<79x128xi32, #tpu.memory_space<vmem>> -> memref<1x128xi32, #tpu.memory_space<vmem>>
          %dma_start3A_114 = tpu.memref_squeeze %dma_start3A_113 : memref<1x128xi32, #tpu.memory_space<vmem>> -> memref<128xi32, #tpu.memory_space<vmem>>
          %dma_start3A_115 = arith.constant 0 : i32
          %dma_start3A_116 = arith.constant 0 : i32
          %dma_start3A_117 = tpu.memref_slice %arg3[%dma_start3A_115, %dma_start3A_116] : memref<160000x128xf32, #tpu.memory_space<hbm>> -> memref<160000x128xf32, #tpu.memory_space<hbm>>
          tpu.enqueue_indirect_dma source(%dma_start3A_117 : memref<160000x128xf32, #tpu.memory_space<hbm>>) target(%arg8 : memref<128x128xf32, #tpu.memory_space<vmem>>) offsets(%dma_start3A_114 : memref<128xi32, #tpu.memory_space<vmem>>) semaphore(%arg12 : memref<!tpu.dma_semaphore, #tpu.memory_space<semaphore_mem>>)
          %dma_wait3A = arith.constant 0 : i32
          %dma_wait3A_118 = tpu.memref_slice %arg6[%while3A_111, %dma_wait3A] : memref<79x128xi32, #tpu.memory_space<vmem>> -> memref<1x128xi32, #tpu.memory_space<vmem>>
          %dma_wait3A_119 = tpu.memref_squeeze %dma_wait3A_118 : memref<1x128xi32, #tpu.memory_space<vmem>> -> memref<128xi32, #tpu.memory_space<vmem>>
          %dma_wait3A_120 = arith.constant 0 : i32
          %dma_wait3A_121 = arith.constant 0 : i32
          %dma_wait3A_122 = tpu.memref_slice %arg3[%dma_wait3A_120, %dma_wait3A_121] : memref<160000x128xf32, #tpu.memory_space<hbm>> -> memref<160000x128xf32, #tpu.memory_space<hbm>>
          tpu.wait_indirect_dma semaphore(%arg12 : memref<!tpu.dma_semaphore, #tpu.memory_space<semaphore_mem>>) src(%dma_wait3A_122 : memref<160000x128xf32, #tpu.memory_space<hbm>>) dst(%arg8 : memref<128x128xf32, #tpu.memory_space<vmem>>)
          "tpu.region"() ({
            %run_scoped3A = tpu.sem_alloc : memref<!tpu.dma_semaphore, #tpu.memory_space<semaphore_mem>>
            %dma_start3A_124 = arith.constant 0 : i32
            %dma_start3A_125 = tpu.memref_slice %arg7[%while3A_111, %dma_start3A_124] : memref<79x128xi32, #tpu.memory_space<vmem>> -> memref<1x128xi32, #tpu.memory_space<vmem>>
            %dma_start3A_126 = tpu.memref_squeeze %dma_start3A_125 : memref<1x128xi32, #tpu.memory_space<vmem>> -> memref<128xi32, #tpu.memory_space<vmem>>
            %dma_start3A_127 = arith.constant 0 : i32
            %dma_start3A_128 = arith.constant 0 : i32
            %dma_start3A_129 = tpu.memref_slice %arg11[%dma_start3A_127, %dma_start3A_128] : memref<10248x128xf32, #tpu.memory_space<vmem_shared>> -> memref<10248x128xf32, #tpu.memory_space<vmem_shared>>
            tpu.enqueue_indirect_dma source(%arg8 : memref<128x128xf32, #tpu.memory_space<vmem>>) target(%dma_start3A_129 : memref<10248x128xf32, #tpu.memory_space<vmem_shared>>) offsets(%dma_start3A_126 : memref<128xi32, #tpu.memory_space<vmem>>) semaphore(%run_scoped3A : memref<!tpu.dma_semaphore, #tpu.memory_space<semaphore_mem>>) {add = true}
            %dma_wait3A_130 = arith.constant 0 : i32
            %dma_wait3A_131 = tpu.memref_slice %arg7[%while3A_111, %dma_wait3A_130] : memref<79x128xi32, #tpu.memory_space<vmem>> -> memref<1x128xi32, #tpu.memory_space<vmem>>
            %dma_wait3A_132 = tpu.memref_squeeze %dma_wait3A_131 : memref<1x128xi32, #tpu.memory_space<vmem>> -> memref<128xi32, #tpu.memory_space<vmem>>
            %dma_wait3A_133 = arith.constant 0 : i32
            %dma_wait3A_134 = arith.constant 0 : i32
            %dma_wait3A_135 = tpu.memref_slice %arg11[%dma_wait3A_133, %dma_wait3A_134] : memref<10248x128xf32, #tpu.memory_space<vmem_shared>> -> memref<10248x128xf32, #tpu.memory_space<vmem_shared>>
            tpu.wait_indirect_dma semaphore(%run_scoped3A : memref<!tpu.dma_semaphore, #tpu.memory_space<semaphore_mem>>) src(%arg8 : memref<128x128xf32, #tpu.memory_space<vmem>>) dst(%dma_wait3A_135 : memref<10248x128xf32, #tpu.memory_space<vmem_shared>>)
            tpu.yield
          }) : () -> ()
          %while3A_123 = arith.constant 0 : i32
          scf.yield %while3A_123 : i32
        }
        %while3A_98 = arith.constant 1 : i32
        %while3A_99 = scf.for %while3A_111 = %while3A_95 to %while3A_91 step %while3A_98 iter_args(%while3A_112 = %while3A_97) -> (i32)  : i32 {
          %dma_start3A = arith.constant 0 : i32
          %dma_start3A_113 = tpu.memref_slice %arg6[%while3A_111, %dma_start3A] : memref<79x128xi32, #tpu.memory_space<vmem>> -> memref<1x128xi32, #tpu.memory_space<vmem>>
          %dma_start3A_114 = tpu.memref_squeeze %dma_start3A_113 : memref<1x128xi32, #tpu.memory_space<vmem>> -> memref<128xi32, #tpu.memory_space<vmem>>
          %dma_start3A_115 = arith.constant 0 : i32
          %dma_start3A_116 = arith.constant 0 : i32
          %dma_start3A_117 = tpu.memref_slice %arg3[%dma_start3A_115, %dma_start3A_116] : memref<160000x128xf32, #tpu.memory_space<hbm>> -> memref<160000x128xf32, #tpu.memory_space<hbm>>
          tpu.enqueue_indirect_dma source(%dma_start3A_117 : memref<160000x128xf32, #tpu.memory_space<hbm>>) target(%arg8 : memref<128x128xf32, #tpu.memory_space<vmem>>) offsets(%dma_start3A_114 : memref<128xi32, #tpu.memory_space<vmem>>) semaphore(%arg12 : memref<!tpu.dma_semaphore, #tpu.memory_space<semaphore_mem>>)
          %dma_wait3A = arith.constant 0 : i32
          %dma_wait3A_118 = tpu.memref_slice %arg6[%while3A_111, %dma_wait3A] : memref<79x128xi32, #tpu.memory_space<vmem>> -> memref<1x128xi32, #tpu.memory_space<vmem>>
          %dma_wait3A_119 = tpu.memref_squeeze %dma_wait3A_118 : memref<1x128xi32, #tpu.memory_space<vmem>> -> memref<128xi32, #tpu.memory_space<vmem>>
          %dma_wait3A_120 = arith.constant 0 : i32
          %dma_wait3A_121 = arith.constant 0 : i32
          %dma_wait3A_122 = tpu.memref_slice %arg3[%dma_wait3A_120, %dma_wait3A_121] : memref<160000x128xf32, #tpu.memory_space<hbm>> -> memref<160000x128xf32, #tpu.memory_space<hbm>>
          tpu.wait_indirect_dma semaphore(%arg12 : memref<!tpu.dma_semaphore, #tpu.memory_space<semaphore_mem>>) src(%dma_wait3A_122 : memref<160000x128xf32, #tpu.memory_space<hbm>>) dst(%arg8 : memref<128x128xf32, #tpu.memory_space<vmem>>)
          "tpu.region"() ({
            %run_scoped3A = tpu.sem_alloc : memref<!tpu.dma_semaphore, #tpu.memory_space<semaphore_mem>>
            %dma_start3A_124 = arith.constant 0 : i32
            %dma_start3A_125 = tpu.memref_slice %arg7[%while3A_111, %dma_start3A_124] : memref<79x128xi32, #tpu.memory_space<vmem>> -> memref<1x128xi32, #tpu.memory_space<vmem>>
            %dma_start3A_126 = tpu.memref_squeeze %dma_start3A_125 : memref<1x128xi32, #tpu.memory_space<vmem>> -> memref<128xi32, #tpu.memory_space<vmem>>
            %dma_start3A_127 = arith.constant 0 : i32
            %dma_start3A_128 = arith.constant 0 : i32
            %dma_start3A_129 = tpu.memref_slice %arg11[%dma_start3A_127, %dma_start3A_128] : memref<10248x128xf32, #tpu.memory_space<vmem_shared>> -> memref<10248x128xf32, #tpu.memory_space<vmem_shared>>
            tpu.enqueue_indirect_dma source(%arg8 : memref<128x128xf32, #tpu.memory_space<vmem>>) target(%dma_start3A_129 : memref<10248x128xf32, #tpu.memory_space<vmem_shared>>) offsets(%dma_start3A_126 : memref<128xi32, #tpu.memory_space<vmem>>) semaphore(%run_scoped3A : memref<!tpu.dma_semaphore, #tpu.memory_space<semaphore_mem>>) {add = true}
            %dma_wait3A_130 = arith.constant 0 : i32
            %dma_wait3A_131 = tpu.memref_slice %arg7[%while3A_111, %dma_wait3A_130] : memref<79x128xi32, #tpu.memory_space<vmem>> -> memref<1x128xi32, #tpu.memory_space<vmem>>
            %dma_wait3A_132 = tpu.memref_squeeze %dma_wait3A_131 : memref<1x128xi32, #tpu.memory_space<vmem>> -> memref<128xi32, #tpu.memory_space<vmem>>
            %dma_wait3A_133 = arith.constant 0 : i32
            %dma_wait3A_134 = arith.constant 0 : i32
            %dma_wait3A_135 = tpu.memref_slice %arg11[%dma_wait3A_133, %dma_wait3A_134] : memref<10248x128xf32, #tpu.memory_space<vmem_shared>> -> memref<10248x128xf32, #tpu.memory_space<vmem_shared>>
            tpu.wait_indirect_dma semaphore(%run_scoped3A : memref<!tpu.dma_semaphore, #tpu.memory_space<semaphore_mem>>) src(%arg8 : memref<128x128xf32, #tpu.memory_space<vmem>>) dst(%dma_wait3A_135 : memref<10248x128xf32, #tpu.memory_space<vmem_shared>>)
            tpu.yield
          }) : () -> ()
          %while3A_123 = arith.constant 0 : i32
          scf.yield %while3A_123 : i32
        }
        %barrier3A_100 = arith.constant 0 : index
        tpu.barrier barrier_id(%barrier3A_100)
        %add3A_101 = arith.constant 1 : i32
        %add3A_102 = arith.addi %arg1, %add3A_101 : i32
        %mul3A_103 = arith.constant 640 : i32
        %mul3A_104 = arith.muli %add3A_102, %mul3A_103 : i32
        %add3A_105 = arith.addi %mul3A_19, %mul3A_104 : i32
        %le3A = arith.constant 160000 : i32
        %le3A_106 = arith.cmpi sle, %add3A_105, %le3A : i32
        %convert_element_type3A_107 = arith.extui %le3A_106 : i1 to i32
        %cond3A_108 = arith.constant 0 : i32
        %cond3A_109 = arith.cmpi ne, %convert_element_type3A_107, %cond3A_108 : i32
        scf.if %cond3A_109 {
          %mul3A_111 = arith.constant 640 : i32
          %mul3A_112 = arith.muli %arg1, %mul3A_111 : i32
          %mul3A_113 = arith.constant 640 : i32
          %mul3A_114 = arith.muli %arg1, %mul3A_113 : i32
          %add3A_115 = arith.addi %mul3A_19, %mul3A_114 : i32
          "tpu.region"() ({
            %run_scoped3A = tpu.sem_alloc : memref<!tpu.dma_semaphore, #tpu.memory_space<semaphore_mem>>
            %dma_start3A = arith.constant 0 : i32
            %dma_start3A_116 = tpu.memref_slice %arg4[%add3A_115, %dma_start3A] : memref<160000x128xf32, #tpu.memory_space<hbm>> -> memref<640x128xf32, #tpu.memory_space<hbm>>
            %dma_start3A_117 = arith.constant 0 : i32
            %dma_start3A_118 = tpu.memref_slice %arg11[%mul3A_112, %dma_start3A_117] : memref<10248x128xf32, #tpu.memory_space<vmem_shared>> -> memref<640x128xf32, #tpu.memory_space<vmem_shared>>
            tpu.enqueue_dma source(%dma_start3A_118 : memref<640x128xf32, #tpu.memory_space<vmem_shared>>) target(%dma_start3A_116 : memref<640x128xf32, #tpu.memory_space<hbm>>) target_semaphore(%run_scoped3A : memref<!tpu.dma_semaphore, #tpu.memory_space<semaphore_mem>>)
            %dma_wait3A = arith.constant 0 : i32
            %dma_wait3A_119 = tpu.memref_slice %arg4[%add3A_115, %dma_wait3A] : memref<160000x128xf32, #tpu.memory_space<hbm>> -> memref<640x128xf32, #tpu.memory_space<hbm>>
            %dma_wait3A_120 = arith.constant 0 : i32
            %dma_wait3A_121 = tpu.memref_slice %arg11[%mul3A_112, %dma_wait3A_120] : memref<10248x128xf32, #tpu.memory_space<vmem_shared>> -> memref<640x128xf32, #tpu.memory_space<vmem_shared>>
            tpu.wait_dma2 semaphore(%run_scoped3A : memref<!tpu.dma_semaphore, #tpu.memory_space<semaphore_mem>>) src(%dma_wait3A_121 : memref<640x128xf32, #tpu.memory_space<vmem_shared>>) dst(%dma_wait3A_119 : memref<640x128xf32, #tpu.memory_space<hbm>>)
            tpu.yield
          }) : () -> ()
        } else {
        }
        %barrier3A_110 = arith.constant 0 : index
        tpu.barrier barrier_id(%barrier3A_110)
      } else {
      }
      %scan3A_22 = arith.constant 0 : i32
      scf.yield %scan3A_22 : i32
    }
    %scan3A_13 = arith.constant 8 : i32
    return
  }
}

#map = affine_map<(d0, d1) -> (0)>
#map1 = affine_map<(d0, d1) -> (0, 0)>
module attributes {stable_mosaic.version = 14 : i64} {
  func.func @gather_k(%arg0: i32, %arg1: i32, %arg2: memref<160000xi32, #tpu.memory_space<hbm>>, %arg3: memref<160000x128xf32, #tpu.memory_space<hbm>>, %arg4: memref<160000x128xf32, #tpu.memory_space<hbm>>, %arg5: memref<200xi32, #tpu.memory_space<vmem>>, %arg6: memref<200x128xf32, #tpu.memory_space<vmem>>, %arg7: memref<!tpu.dma_semaphore, #tpu.memory_space<semaphore_mem>>) attributes {dimension_semantics = [#tpu.dimension_semantics<core_parallel>, #tpu.dimension_semantics<subcore_parallel>], iteration_bounds = array<i64: 2, 16>, scalar_prefetch = 0 : i64, scratch_operands = 3 : i64, tpu.core_type = #tpu.core_type<sc_vector_subcore>, window_params = [{transform_indices = #map}, {transform_indices = #map1}, {transform_indices = #map1}]} {
    %mul3A = arith.constant 2 : i32
    %mul3A_0 = arith.muli %arg1, %mul3A : i32
    %add3A = arith.addi %mul3A_0, %arg0 : i32
    %scan3A = arith.constant 0 : i32
    %scan3A_1 = arith.constant 0 : i32
    %scan3A_2 = arith.constant 25 : i32
    %scan3A_3 = arith.addi %scan3A_1, %scan3A_2 : i32
    %scan3A_4 = arith.constant 1 : i32
    scf.for %scan3A_6 = %scan3A_1 to %scan3A_3 step %scan3A_4  : i32 {
      %mul3A_7 = arith.constant 32 : i32
      %mul3A_8 = arith.muli %mul3A_7, %scan3A_6 : i32
      %add3A_9 = arith.addi %add3A, %mul3A_8 : i32
      %mul3A_10 = arith.constant 200 : i32
      %mul3A_11 = arith.muli %add3A_9, %mul3A_10 : i32
      "tpu.region"() ({
        %run_scoped3A = tpu.sem_alloc : memref<!tpu.dma_semaphore, #tpu.memory_space<semaphore_mem>>
        %dma_start3A_16 = tpu.memref_slice %arg2[%mul3A_11] : memref<160000xi32, #tpu.memory_space<hbm>> -> memref<200xi32, #tpu.memory_space<hbm>>
        %dma_start3A_17 = tpu.memref_slice %arg2[%mul3A_11] : memref<160000xi32, #tpu.memory_space<hbm>> -> memref<200xi32, #tpu.memory_space<hbm>>
        tpu.enqueue_dma source(%dma_start3A_17 : memref<200xi32, #tpu.memory_space<hbm>>) target(%arg5 : memref<200xi32, #tpu.memory_space<vmem>>) target_semaphore(%run_scoped3A : memref<!tpu.dma_semaphore, #tpu.memory_space<semaphore_mem>>)
        %dma_wait3A_18 = tpu.memref_slice %arg2[%mul3A_11] : memref<160000xi32, #tpu.memory_space<hbm>> -> memref<200xi32, #tpu.memory_space<hbm>>
        %dma_wait3A_19 = tpu.memref_slice %arg2[%mul3A_11] : memref<160000xi32, #tpu.memory_space<hbm>> -> memref<200xi32, #tpu.memory_space<hbm>>
        tpu.wait_dma2 semaphore(%run_scoped3A : memref<!tpu.dma_semaphore, #tpu.memory_space<semaphore_mem>>) src(%dma_wait3A_19 : memref<200xi32, #tpu.memory_space<hbm>>) dst(%arg5 : memref<200xi32, #tpu.memory_space<vmem>>)
        tpu.yield
      }) : () -> ()
      %dma_start3A = arith.constant 0 : i32
      %dma_start3A_12 = arith.constant 0 : i32
      %dma_start3A_13 = tpu.memref_slice %arg3[%dma_start3A, %dma_start3A_12] : memref<160000x128xf32, #tpu.memory_space<hbm>> -> memref<160000x128xf32, #tpu.memory_space<hbm>>
      tpu.enqueue_indirect_dma source(%dma_start3A_13 : memref<160000x128xf32, #tpu.memory_space<hbm>>) target(%arg6 : memref<200x128xf32, #tpu.memory_space<vmem>>) offsets(%arg5 : memref<200xi32, #tpu.memory_space<vmem>>) semaphore(%arg7 : memref<!tpu.dma_semaphore, #tpu.memory_space<semaphore_mem>>)
      %dma_wait3A = arith.constant 0 : i32
      %dma_wait3A_14 = arith.constant 0 : i32
      %dma_wait3A_15 = tpu.memref_slice %arg3[%dma_wait3A, %dma_wait3A_14] : memref<160000x128xf32, #tpu.memory_space<hbm>> -> memref<160000x128xf32, #tpu.memory_space<hbm>>
      tpu.wait_indirect_dma semaphore(%arg7 : memref<!tpu.dma_semaphore, #tpu.memory_space<semaphore_mem>>) src(%dma_wait3A_15 : memref<160000x128xf32, #tpu.memory_space<hbm>>) dst(%arg6 : memref<200x128xf32, #tpu.memory_space<vmem>>)
      "tpu.region"() ({
        %run_scoped3A = tpu.sem_alloc : memref<!tpu.dma_semaphore, #tpu.memory_space<semaphore_mem>>
        %dma_start3A_16 = arith.constant 0 : i32
        %dma_start3A_17 = tpu.memref_slice %arg4[%mul3A_11, %dma_start3A_16] : memref<160000x128xf32, #tpu.memory_space<hbm>> -> memref<200x128xf32, #tpu.memory_space<hbm>>
        %dma_start3A_18 = arith.constant 0 : i32
        %dma_start3A_19 = tpu.memref_slice %arg4[%mul3A_11, %dma_start3A_18] : memref<160000x128xf32, #tpu.memory_space<hbm>> -> memref<200x128xf32, #tpu.memory_space<hbm>>
        tpu.enqueue_dma source(%arg6 : memref<200x128xf32, #tpu.memory_space<vmem>>) target(%dma_start3A_19 : memref<200x128xf32, #tpu.memory_space<hbm>>) target_semaphore(%run_scoped3A : memref<!tpu.dma_semaphore, #tpu.memory_space<semaphore_mem>>)
        %dma_wait3A_20 = arith.constant 0 : i32
        %dma_wait3A_21 = tpu.memref_slice %arg4[%mul3A_11, %dma_wait3A_20] : memref<160000x128xf32, #tpu.memory_space<hbm>> -> memref<200x128xf32, #tpu.memory_space<hbm>>
        %dma_wait3A_22 = arith.constant 0 : i32
        %dma_wait3A_23 = tpu.memref_slice %arg4[%mul3A_11, %dma_wait3A_22] : memref<160000x128xf32, #tpu.memory_space<hbm>> -> memref<200x128xf32, #tpu.memory_space<hbm>>
        tpu.wait_dma2 semaphore(%run_scoped3A : memref<!tpu.dma_semaphore, #tpu.memory_space<semaphore_mem>>) src(%arg6 : memref<200x128xf32, #tpu.memory_space<vmem>>) dst(%dma_wait3A_23 : memref<200x128xf32, #tpu.memory_space<hbm>>)
        tpu.yield
      }) : () -> ()
    }
    %scan3A_5 = arith.constant 25 : i32
    return
  }
}

module attributes {stable_mosaic.version = 14 : i64} {
  func.func @_edge_transform_body(%arg0: i32, %arg1: memref<1280x128xf32, #tpu.memory_space<vmem>>, %arg2: memref<1280x6xf32, #tpu.memory_space<vmem>>, %arg3: memref<1280x42xf32, #tpu.memory_space<vmem>>, %arg4: memref<6x128xf32, #tpu.memory_space<vmem>>, %arg5: memref<128x128xf32, #tpu.memory_space<vmem>>, %arg6: memref<128xf32, #tpu.memory_space<vmem>>, %arg7: memref<128x128xf32, #tpu.memory_space<vmem>>, %arg8: memref<128xf32, #tpu.memory_space<vmem>>, %arg9: memref<42x8xf32, #tpu.memory_space<vmem>>, %arg10: memref<1280x128xf32, #tpu.memory_space<vmem>>, %arg11: memref<1280x128xf32, #tpu.memory_space<vmem>>, %arg12: memref<1280x8xf32, #tpu.memory_space<vmem>>) attributes {dimension_semantics = [#tpu.dimension_semantics<arbitrary>], iteration_bounds = array<i64: 125>, scalar_prefetch = 0 : i64, scratch_operands = 0 : i64, tpu.core_type = #tpu.core_type<tc>, window_params = [{transform_indices = @transform_0, window_bounds = array<i64: 1280, 128>}, {transform_indices = @transform_1, window_bounds = array<i64: 1280, 6>}, {transform_indices = @transform_2, window_bounds = array<i64: 1280, 42>}, {pipeline_mode = #tpu.pipeline_mode<synchronous>, transform_indices = @transform_3, window_bounds = array<i64: 6, 128>}, {pipeline_mode = #tpu.pipeline_mode<synchronous>, transform_indices = @transform_4, window_bounds = array<i64: 128, 128>}, {pipeline_mode = #tpu.pipeline_mode<synchronous>, transform_indices = @transform_5, window_bounds = array<i64: 128>}, {pipeline_mode = #tpu.pipeline_mode<synchronous>, transform_indices = @transform_6, window_bounds = array<i64: 128, 128>}, {pipeline_mode = #tpu.pipeline_mode<synchronous>, transform_indices = @transform_7, window_bounds = array<i64: 128>}, {pipeline_mode = #tpu.pipeline_mode<synchronous>, transform_indices = @transform_8, window_bounds = array<i64: 42, 8>}, {transform_indices = @transform_9, window_bounds = array<i64: 1280, 128>}, {transform_indices = @transform_10, window_bounds = array<i64: 1280, 128>}, {transform_indices = @transform_11, window_bounds = array<i64: 1280, 8>}]} {
    %get3A = arith.constant 0 : index
    %get3A_0 = arith.constant 0 : index
    %get3A_1 = vector.load %arg1[%get3A, %get3A_0] : memref<1280x128xf32, #tpu.memory_space<vmem>>, vector<1280x128xf32>
    %get3A_2 = arith.constant 0 : index
    %get3A_3 = arith.constant 0 : index
    %get3A_4 = vector.load %arg2[%get3A_2, %get3A_3] : memref<1280x6xf32, #tpu.memory_space<vmem>>, vector<1280x6xf32>
    %get3A_5 = arith.constant 0 : index
    %get3A_6 = arith.constant 0 : index
    %get3A_7 = vector.load %arg4[%get3A_5, %get3A_6] : memref<6x128xf32, #tpu.memory_space<vmem>>, vector<6x128xf32>
    %dot_general3A = arith.constant dense<0.000000e+00> : vector<1280x128xf32>
    %dot_general3A_8 = tpu.matmul %get3A_4, %get3A_7, %dot_general3A {dimension_numbers = #tpu.dot_dimension_numbers<[1], [0], [0], [1], [0, 0, 1, 1], [], []>, transpose_lhs_hint = false} : vector<1280x6xf32>, vector<6x128xf32>, vector<1280x128xf32> -> vector<1280x128xf32>
    %get3A_9 = arith.constant 0 : index
    %get3A_10 = arith.constant 0 : index
    %get3A_11 = vector.load %arg5[%get3A_9, %get3A_10] : memref<128x128xf32, #tpu.memory_space<vmem>>, vector<128x128xf32>
    %dot_general3A_12 = arith.constant dense<0.000000e+00> : vector<1280x128xf32>
    %dot_general3A_13 = tpu.matmul %get3A_1, %get3A_11, %dot_general3A_12 {dimension_numbers = #tpu.dot_dimension_numbers<[1], [0], [0], [1], [0, 0, 1, 1], [], []>, transpose_lhs_hint = false} : vector<1280x128xf32>, vector<128x128xf32>, vector<1280x128xf32> -> vector<1280x128xf32>
    %get3A_14 = arith.constant 0 : index
    %get3A_15 = vector.load %arg6[%get3A_14] : memref<128xf32, #tpu.memory_space<vmem>>, vector<128xf32>
    %broadcast_in_dim3A = vector.shape_cast %get3A_15 : vector<128xf32> to vector<1x128xf32>
    %add3A = vector.broadcast %broadcast_in_dim3A : vector<1x128xf32> to vector<1280x128xf32>
    %add3A_16 = arith.addf %dot_general3A_13, %add3A : vector<1280x128xf32>
    %swap3A = arith.constant 0 : index
    %swap3A_17 = arith.constant 0 : index
    %swap3A_18 = vector.load %arg10[%swap3A, %swap3A_17] : memref<1280x128xf32, #tpu.memory_space<vmem>>, vector<1280x128xf32>
    tpu.vector_store %arg10[%swap3A, %swap3A_17], %add3A_16 {strides = array<i32>} : memref<1280x128xf32, #tpu.memory_space<vmem>>, vector<1280x128xf32>,
    %get3A_19 = arith.constant 0 : index
    %get3A_20 = arith.constant 0 : index
    %get3A_21 = vector.load %arg7[%get3A_19, %get3A_20] : memref<128x128xf32, #tpu.memory_space<vmem>>, vector<128x128xf32>
    %dot_general3A_22 = arith.constant dense<0.000000e+00> : vector<1280x128xf32>
    %dot_general3A_23 = tpu.matmul %get3A_1, %get3A_21, %dot_general3A_22 {dimension_numbers = #tpu.dot_dimension_numbers<[1], [0], [0], [1], [0, 0, 1, 1], [], []>, transpose_lhs_hint = false} : vector<1280x128xf32>, vector<128x128xf32>, vector<1280x128xf32> -> vector<1280x128xf32>
    %get3A_24 = arith.constant 0 : index
    %get3A_25 = vector.load %arg8[%get3A_24] : memref<128xf32, #tpu.memory_space<vmem>>, vector<128xf32>
    %broadcast_in_dim3A_26 = vector.shape_cast %get3A_25 : vector<128xf32> to vector<1x128xf32>
    %add3A_27 = vector.broadcast %broadcast_in_dim3A_26 : vector<1x128xf32> to vector<1280x128xf32>
    %add3A_28 = arith.addf %dot_general3A_23, %add3A_27 : vector<1280x128xf32>
    %mul3A = arith.mulf %add3A_28, %dot_general3A_8 : vector<1280x128xf32>
    %swap3A_29 = arith.constant 0 : index
    %swap3A_30 = arith.constant 0 : index
    %swap3A_31 = vector.load %arg11[%swap3A_29, %swap3A_30] : memref<1280x128xf32, #tpu.memory_space<vmem>>, vector<1280x128xf32>
    tpu.vector_store %arg11[%swap3A_29, %swap3A_30], %mul3A {strides = array<i32>} : memref<1280x128xf32, #tpu.memory_space<vmem>>, vector<1280x128xf32>,
    %get3A_32 = arith.constant 0 : index
    %get3A_33 = arith.constant 0 : index
    %get3A_34 = vector.load %arg3[%get3A_32, %get3A_33] : memref<1280x42xf32, #tpu.memory_space<vmem>>, vector<1280x42xf32>
    %get3A_35 = arith.constant 0 : index
    %get3A_36 = arith.constant 0 : index
    %get3A_37 = vector.load %arg9[%get3A_35, %get3A_36] : memref<42x8xf32, #tpu.memory_space<vmem>>, vector<42x8xf32>
    %dot_general3A_38 = arith.constant dense<0.000000e+00> : vector<1280x8xf32>
    %dot_general3A_39 = tpu.matmul %get3A_34, %get3A_37, %dot_general3A_38 {dimension_numbers = #tpu.dot_dimension_numbers<[1], [0], [0], [1], [0, 0, 1, 1], [], []>, transpose_lhs_hint = false} : vector<1280x42xf32>, vector<42x8xf32>, vector<1280x8xf32> -> vector<1280x8xf32>
    %swap3A_40 = arith.constant 0 : index
    %swap3A_41 = arith.constant 0 : index
    %swap3A_42 = vector.load %arg12[%swap3A_40, %swap3A_41] : memref<1280x8xf32, #tpu.memory_space<vmem>>, vector<1280x8xf32>
    tpu.vector_store %arg12[%swap3A_40, %swap3A_41], %dot_general3A_39 {strides = array<i32>} : memref<1280x8xf32, #tpu.memory_space<vmem>>, vector<1280x8xf32>,
    return
  }
  func.func @transform_0(%arg0: i32) -> (i32, i32) {
    %c0_i32 = arith.constant 0 : i32
    %c0_i32_0 = arith.constant 0 : i32
    return %arg0, %c0_i32 : i32, i32
  }
  func.func @transform_1(%arg0: i32) -> (i32, i32) {
    %c0_i32 = arith.constant 0 : i32
    %c0_i32_0 = arith.constant 0 : i32
    return %arg0, %c0_i32 : i32, i32
  }
  func.func @transform_2(%arg0: i32) -> (i32, i32) {
    %c0_i32 = arith.constant 0 : i32
    %c0_i32_0 = arith.constant 0 : i32
    return %arg0, %c0_i32 : i32, i32
  }
  func.func @transform_3(%arg0: i32) -> (i32, i32) {
    %c0_i32 = arith.constant 0 : i32
    %c0_i32_0 = arith.constant 0 : i32
    %c0_i32_1 = arith.constant 0 : i32
    return %c0_i32, %c0_i32_0 : i32, i32
  }
  func.func @transform_4(%arg0: i32) -> (i32, i32) {
    %c0_i32 = arith.constant 0 : i32
    %c0_i32_0 = arith.constant 0 : i32
    %c0_i32_1 = arith.constant 0 : i32
    return %c0_i32, %c0_i32_0 : i32, i32
  }
  func.func @transform_5(%arg0: i32) -> i32 {
    %c0_i32 = arith.constant 0 : i32
    %c0_i32_0 = arith.constant 0 : i32
    return %c0_i32 : i32
  }
  func.func @transform_6(%arg0: i32) -> (i32, i32) {
    %c0_i32 = arith.constant 0 : i32
    %c0_i32_0 = arith.constant 0 : i32
    %c0_i32_1 = arith.constant 0 : i32
    return %c0_i32, %c0_i32_0 : i32, i32
  }
  func.func @transform_7(%arg0: i32) -> i32 {
    %c0_i32 = arith.constant 0 : i32
    %c0_i32_0 = arith.constant 0 : i32
    return %c0_i32 : i32
  }
  func.func @transform_8(%arg0: i32) -> (i32, i32) {
    %c0_i32 = arith.constant 0 : i32
    %c0_i32_0 = arith.constant 0 : i32
    %c0_i32_1 = arith.constant 0 : i32
    return %c0_i32, %c0_i32_0 : i32, i32
  }
  func.func @transform_9(%arg0: i32) -> (i32, i32) {
    %c0_i32 = arith.constant 0 : i32
    %c0_i32_0 = arith.constant 0 : i32
    return %arg0, %c0_i32 : i32, i32
  }
  func.func @transform_10(%arg0: i32) -> (i32, i32) {
    %c0_i32 = arith.constant 0 : i32
    %c0_i32_0 = arith.constant 0 : i32
    return %arg0, %c0_i32 : i32, i32
  }
  func.func @transform_11(%arg0: i32) -> (i32, i32) {
    %c0_i32 = arith.constant 0 : i32
    %c0_i32_0 = arith.constant 0 : i32
    return %arg0, %c0_i32 : i32, i32
  }
}

module attributes {stable_mosaic.version = 14 : i64} {
  func.func @_bilinear_body(%arg0: i32, %arg1: memref<1280x128xf32, #tpu.memory_space<vmem>>, %arg2: memref<1280x8xf32, #tpu.memory_space<vmem>>, %arg3: memref<128x1024xf32, #tpu.memory_space<vmem>>, %arg4: memref<1280x128xf32, #tpu.memory_space<vmem>>) attributes {dimension_semantics = [#tpu.dimension_semantics<arbitrary>], iteration_bounds = array<i64: 125>, scalar_prefetch = 0 : i64, scratch_operands = 0 : i64, tpu.core_type = #tpu.core_type<tc>, window_params = [{transform_indices = @transform_0, window_bounds = array<i64: 1280, 128>}, {transform_indices = @transform_1, window_bounds = array<i64: 1280, 8>}, {pipeline_mode = #tpu.pipeline_mode<synchronous>, transform_indices = @transform_2, window_bounds = array<i64: 128, 1024>}, {transform_indices = @transform_3, window_bounds = array<i64: 1280, 128>}]} {
    %get3A = arith.constant 0 : index
    %get3A_0 = arith.constant 0 : index
    %get3A_1 = vector.load %arg1[%get3A, %get3A_0] : memref<1280x128xf32, #tpu.memory_space<vmem>>, vector<1280x128xf32>
    %get3A_2 = arith.constant 0 : index
    %get3A_3 = arith.constant 0 : index
    %get3A_4 = vector.load %arg2[%get3A_2, %get3A_3] : memref<1280x8xf32, #tpu.memory_space<vmem>>, vector<1280x8xf32>
    %broadcast_in_dim3A = arith.constant 0.000000e+00 : f32
    %broadcast_in_dim3A_5 = vector.broadcast %broadcast_in_dim3A : f32 to vector<1280x128xf32>
    %get3A_6 = arith.constant 0 : index
    %get3A_7 = arith.constant 0 : index
    %get3A_8 = vector.load %arg3[%get3A_6, %get3A_7] : memref<128x1024xf32, #tpu.memory_space<vmem>>, vector<128x128xf32>
    %dot_general3A = arith.constant dense<0.000000e+00> : vector<1280x128xf32>
    %dot_general3A_9 = tpu.matmul %get3A_1, %get3A_8, %dot_general3A {dimension_numbers = #tpu.dot_dimension_numbers<[1], [0], [0], [1], [0, 0, 1, 1], [], []>, transpose_lhs_hint = false} : vector<1280x128xf32>, vector<128x128xf32>, vector<1280x128xf32> -> vector<1280x128xf32>
    %slice3A = vector.extract_strided_slice %get3A_4 {offsets = [0, 0], sizes = [1280, 1], strides = [1, 1]} : vector<1280x8xf32> to vector<1280x1xf32>
    %mul3A = vector.broadcast %slice3A : vector<1280x1xf32> to vector<1280x128xf32>
    %mul3A_10 = arith.mulf %mul3A, %dot_general3A_9 : vector<1280x128xf32>
    %add3A = arith.addf %broadcast_in_dim3A_5, %mul3A_10 : vector<1280x128xf32>
    %get3A_11 = arith.constant 0 : index
    %get3A_12 = arith.constant 128 : index
    %get3A_13 = vector.load %arg3[%get3A_11, %get3A_12] : memref<128x1024xf32, #tpu.memory_space<vmem>>, vector<128x128xf32>
    %dot_general3A_14 = arith.constant dense<0.000000e+00> : vector<1280x128xf32>
    %dot_general3A_15 = tpu.matmul %get3A_1, %get3A_13, %dot_general3A_14 {dimension_numbers = #tpu.dot_dimension_numbers<[1], [0], [0], [1], [0, 0, 1, 1], [], []>, transpose_lhs_hint = false} : vector<1280x128xf32>, vector<128x128xf32>, vector<1280x128xf32> -> vector<1280x128xf32>
    %slice3A_16 = vector.extract_strided_slice %get3A_4 {offsets = [0, 1], sizes = [1280, 1], strides = [1, 1]} : vector<1280x8xf32> to vector<1280x1xf32>
    %mul3A_17 = vector.broadcast %slice3A_16 : vector<1280x1xf32> to vector<1280x128xf32>
    %mul3A_18 = arith.mulf %mul3A_17, %dot_general3A_15 : vector<1280x128xf32>
    %add3A_19 = arith.addf %add3A, %mul3A_18 : vector<1280x128xf32>
    %get3A_20 = arith.constant 0 : index
    %get3A_21 = arith.constant 256 : index
    %get3A_22 = vector.load %arg3[%get3A_20, %get3A_21] : memref<128x1024xf32, #tpu.memory_space<vmem>>, vector<128x128xf32>
    %dot_general3A_23 = arith.constant dense<0.000000e+00> : vector<1280x128xf32>
    %dot_general3A_24 = tpu.matmul %get3A_1, %get3A_22, %dot_general3A_23 {dimension_numbers = #tpu.dot_dimension_numbers<[1], [0], [0], [1], [0, 0, 1, 1], [], []>, transpose_lhs_hint = false} : vector<1280x128xf32>, vector<128x128xf32>, vector<1280x128xf32> -> vector<1280x128xf32>
    %slice3A_25 = vector.extract_strided_slice %get3A_4 {offsets = [0, 2], sizes = [1280, 1], strides = [1, 1]} : vector<1280x8xf32> to vector<1280x1xf32>
    %mul3A_26 = vector.broadcast %slice3A_25 : vector<1280x1xf32> to vector<1280x128xf32>
    %mul3A_27 = arith.mulf %mul3A_26, %dot_general3A_24 : vector<1280x128xf32>
    %add3A_28 = arith.addf %add3A_19, %mul3A_27 : vector<1280x128xf32>
    %get3A_29 = arith.constant 0 : index
    %get3A_30 = arith.constant 384 : index
    %get3A_31 = vector.load %arg3[%get3A_29, %get3A_30] : memref<128x1024xf32, #tpu.memory_space<vmem>>, vector<128x128xf32>
    %dot_general3A_32 = arith.constant dense<0.000000e+00> : vector<1280x128xf32>
    %dot_general3A_33 = tpu.matmul %get3A_1, %get3A_31, %dot_general3A_32 {dimension_numbers = #tpu.dot_dimension_numbers<[1], [0], [0], [1], [0, 0, 1, 1], [], []>, transpose_lhs_hint = false} : vector<1280x128xf32>, vector<128x128xf32>, vector<1280x128xf32> -> vector<1280x128xf32>
    %slice3A_34 = vector.extract_strided_slice %get3A_4 {offsets = [0, 3], sizes = [1280, 1], strides = [1, 1]} : vector<1280x8xf32> to vector<1280x1xf32>
    %mul3A_35 = vector.broadcast %slice3A_34 : vector<1280x1xf32> to vector<1280x128xf32>
    %mul3A_36 = arith.mulf %mul3A_35, %dot_general3A_33 : vector<1280x128xf32>
    %add3A_37 = arith.addf %add3A_28, %mul3A_36 : vector<1280x128xf32>
    %get3A_38 = arith.constant 0 : index
    %get3A_39 = arith.constant 512 : index
    %get3A_40 = vector.load %arg3[%get3A_38, %get3A_39] : memref<128x1024xf32, #tpu.memory_space<vmem>>, vector<128x128xf32>
    %dot_general3A_41 = arith.constant dense<0.000000e+00> : vector<1280x128xf32>
    %dot_general3A_42 = tpu.matmul %get3A_1, %get3A_40, %dot_general3A_41 {dimension_numbers = #tpu.dot_dimension_numbers<[1], [0], [0], [1], [0, 0, 1, 1], [], []>, transpose_lhs_hint = false} : vector<1280x128xf32>, vector<128x128xf32>, vector<1280x128xf32> -> vector<1280x128xf32>
    %slice3A_43 = vector.extract_strided_slice %get3A_4 {offsets = [0, 4], sizes = [1280, 1], strides = [1, 1]} : vector<1280x8xf32> to vector<1280x1xf32>
    %mul3A_44 = vector.broadcast %slice3A_43 : vector<1280x1xf32> to vector<1280x128xf32>
    %mul3A_45 = arith.mulf %mul3A_44, %dot_general3A_42 : vector<1280x128xf32>
    %add3A_46 = arith.addf %add3A_37, %mul3A_45 : vector<1280x128xf32>
    %get3A_47 = arith.constant 0 : index
    %get3A_48 = arith.constant 640 : index
    %get3A_49 = vector.load %arg3[%get3A_47, %get3A_48] : memref<128x1024xf32, #tpu.memory_space<vmem>>, vector<128x128xf32>
    %dot_general3A_50 = arith.constant dense<0.000000e+00> : vector<1280x128xf32>
    %dot_general3A_51 = tpu.matmul %get3A_1, %get3A_49, %dot_general3A_50 {dimension_numbers = #tpu.dot_dimension_numbers<[1], [0], [0], [1], [0, 0, 1, 1], [], []>, transpose_lhs_hint = false} : vector<1280x128xf32>, vector<128x128xf32>, vector<1280x128xf32> -> vector<1280x128xf32>
    %slice3A_52 = vector.extract_strided_slice %get3A_4 {offsets = [0, 5], sizes = [1280, 1], strides = [1, 1]} : vector<1280x8xf32> to vector<1280x1xf32>
    %mul3A_53 = vector.broadcast %slice3A_52 : vector<1280x1xf32> to vector<1280x128xf32>
    %mul3A_54 = arith.mulf %mul3A_53, %dot_general3A_51 : vector<1280x128xf32>
    %add3A_55 = arith.addf %add3A_46, %mul3A_54 : vector<1280x128xf32>
    %get3A_56 = arith.constant 0 : index
    %get3A_57 = arith.constant 768 : index
    %get3A_58 = vector.load %arg3[%get3A_56, %get3A_57] : memref<128x1024xf32, #tpu.memory_space<vmem>>, vector<128x128xf32>
    %dot_general3A_59 = arith.constant dense<0.000000e+00> : vector<1280x128xf32>
    %dot_general3A_60 = tpu.matmul %get3A_1, %get3A_58, %dot_general3A_59 {dimension_numbers = #tpu.dot_dimension_numbers<[1], [0], [0], [1], [0, 0, 1, 1], [], []>, transpose_lhs_hint = false} : vector<1280x128xf32>, vector<128x128xf32>, vector<1280x128xf32> -> vector<1280x128xf32>
    %slice3A_61 = vector.extract_strided_slice %get3A_4 {offsets = [0, 6], sizes = [1280, 1], strides = [1, 1]} : vector<1280x8xf32> to vector<1280x1xf32>
    %mul3A_62 = vector.broadcast %slice3A_61 : vector<1280x1xf32> to vector<1280x128xf32>
    %mul3A_63 = arith.mulf %mul3A_62, %dot_general3A_60 : vector<1280x128xf32>
    %add3A_64 = arith.addf %add3A_55, %mul3A_63 : vector<1280x128xf32>
    %get3A_65 = arith.constant 0 : index
    %get3A_66 = arith.constant 896 : index
    %get3A_67 = vector.load %arg3[%get3A_65, %get3A_66] : memref<128x1024xf32, #tpu.memory_space<vmem>>, vector<128x128xf32>
    %dot_general3A_68 = arith.constant dense<0.000000e+00> : vector<1280x128xf32>
    %dot_general3A_69 = tpu.matmul %get3A_1, %get3A_67, %dot_general3A_68 {dimension_numbers = #tpu.dot_dimension_numbers<[1], [0], [0], [1], [0, 0, 1, 1], [], []>, transpose_lhs_hint = false} : vector<1280x128xf32>, vector<128x128xf32>, vector<1280x128xf32> -> vector<1280x128xf32>
    %slice3A_70 = vector.extract_strided_slice %get3A_4 {offsets = [0, 7], sizes = [1280, 1], strides = [1, 1]} : vector<1280x8xf32> to vector<1280x1xf32>
    %mul3A_71 = vector.broadcast %slice3A_70 : vector<1280x1xf32> to vector<1280x128xf32>
    %mul3A_72 = arith.mulf %mul3A_71, %dot_general3A_69 : vector<1280x128xf32>
    %add3A_73 = arith.addf %add3A_64, %mul3A_72 : vector<1280x128xf32>
    %swap3A = arith.constant 0 : index
    %swap3A_74 = arith.constant 0 : index
    %swap3A_75 = vector.load %arg4[%swap3A, %swap3A_74] : memref<1280x128xf32, #tpu.memory_space<vmem>>, vector<1280x128xf32>
    tpu.vector_store %arg4[%swap3A, %swap3A_74], %add3A_73 {strides = array<i32>} : memref<1280x128xf32, #tpu.memory_space<vmem>>, vector<1280x128xf32>,
    return
  }
  func.func @transform_0(%arg0: i32) -> (i32, i32) {
    %c0_i32 = arith.constant 0 : i32
    %c0_i32_0 = arith.constant 0 : i32
    return %arg0, %c0_i32 : i32, i32
  }
  func.func @transform_1(%arg0: i32) -> (i32, i32) {
    %c0_i32 = arith.constant 0 : i32
    %c0_i32_0 = arith.constant 0 : i32
    return %arg0, %c0_i32 : i32, i32
  }
  func.func @transform_2(%arg0: i32) -> (i32, i32) {
    %c0_i32 = arith.constant 0 : i32
    %c0_i32_0 = arith.constant 0 : i32
    %c0_i32_1 = arith.constant 0 : i32
    return %c0_i32, %c0_i32_0 : i32, i32
  }
  func.func @transform_3(%arg0: i32) -> (i32, i32) {
    %c0_i32 = arith.constant 0 : i32
    %c0_i32_0 = arith.constant 0 : i32
    return %arg0, %c0_i32 : i32, i32
  }
}

module attributes {stable_mosaic.version = 14 : i64} {
  func.func @_residual_body(%arg0: i32, %arg1: memref<1280x128xf32, #tpu.memory_space<vmem>>, %arg2: memref<1280x128xf32, #tpu.memory_space<vmem>>, %arg3: memref<1280x128xf32, #tpu.memory_space<vmem>>, %arg4: memref<128x128xf32, #tpu.memory_space<vmem>>, %arg5: memref<128xf32, #tpu.memory_space<vmem>>, %arg6: memref<128x128xf32, #tpu.memory_space<vmem>>, %arg7: memref<128xf32, #tpu.memory_space<vmem>>, %arg8: memref<128x128xf32, #tpu.memory_space<vmem>>, %arg9: memref<128xf32, #tpu.memory_space<vmem>>, %arg10: memref<128x128xf32, #tpu.memory_space<vmem>>, %arg11: memref<128xf32, #tpu.memory_space<vmem>>, %arg12: memref<128x128xf32, #tpu.memory_space<vmem>>, %arg13: memref<128xf32, #tpu.memory_space<vmem>>, %arg14: memref<128x128xf32, #tpu.memory_space<vmem>>, %arg15: memref<128xf32, #tpu.memory_space<vmem>>, %arg16: memref<128x128xf32, #tpu.memory_space<vmem>>, %arg17: memref<128xf32, #tpu.memory_space<vmem>>, %arg18: memref<1280x128xf32, #tpu.memory_space<vmem>>) attributes {dimension_semantics = [#tpu.dimension_semantics<arbitrary>], iteration_bounds = array<i64: 125>, scalar_prefetch = 0 : i64, scratch_operands = 0 : i64, tpu.core_type = #tpu.core_type<tc>, window_params = [{transform_indices = @transform_0, window_bounds = array<i64: 1280, 128>}, {transform_indices = @transform_1, window_bounds = array<i64: 1280, 128>}, {transform_indices = @transform_2, window_bounds = array<i64: 1280, 128>}, {pipeline_mode = #tpu.pipeline_mode<synchronous>, transform_indices = @transform_3, window_bounds = array<i64: 128, 128>}, {pipeline_mode = #tpu.pipeline_mode<synchronous>, transform_indices = @transform_4, window_bounds = array<i64: 128>}, {pipeline_mode = #tpu.pipeline_mode<synchronous>, transform_indices = @transform_5, window_bounds = array<i64: 128, 128>}, {pipeline_mode = #tpu.pipeline_mode<synchronous>, transform_indices = @transform_6, window_bounds = array<i64: 128>}, {pipeline_mode = #tpu.pipeline_mode<synchronous>, transform_indices = @transform_7, window_bounds = array<i64: 128, 128>}, {pipeline_mode = #tpu.pipeline_mode<synchronous>, transform_indices = @transform_8, window_bounds = array<i64: 128>}, {pipeline_mode = #tpu.pipeline_mode<synchronous>, transform_indices = @transform_9, window_bounds = array<i64: 128, 128>}, {pipeline_mode = #tpu.pipeline_mode<synchronous>, transform_indices = @transform_10, window_bounds = array<i64: 128>}, {pipeline_mode = #tpu.pipeline_mode<synchronous>, transform_indices = @transform_11, window_bounds = array<i64: 128, 128>}, {pipeline_mode = #tpu.pipeline_mode<synchronous>, transform_indices = @transform_12, window_bounds = array<i64: 128>}, {pipeline_mode = #tpu.pipeline_mode<synchronous>, transform_indices = @transform_13, window_bounds = array<i64: 128, 128>}, {pipeline_mode = #tpu.pipeline_mode<synchronous>, transform_indices = @transform_14, window_bounds = array<i64: 128>}, {pipeline_mode = #tpu.pipeline_mode<synchronous>, transform_indices = @transform_15, window_bounds = array<i64: 128, 128>}, {pipeline_mode = #tpu.pipeline_mode<synchronous>, transform_indices = @transform_16, window_bounds = array<i64: 128>}, {transform_indices = @transform_17, window_bounds = array<i64: 1280, 128>}]} {
    %get3A = arith.constant 0 : index
    %get3A_0 = arith.constant 0 : index
    %get3A_1 = vector.load %arg1[%get3A, %get3A_0] : memref<1280x128xf32, #tpu.memory_space<vmem>>, vector<1280x128xf32>
    %get3A_2 = arith.constant 0 : index
    %get3A_3 = arith.constant 0 : index
    %get3A_4 = vector.load %arg2[%get3A_2, %get3A_3] : memref<1280x128xf32, #tpu.memory_space<vmem>>, vector<1280x128xf32>
    %add3A = arith.addf %get3A_1, %get3A_4 : vector<1280x128xf32>
    %get3A_5 = arith.constant 0 : index
    %get3A_6 = arith.constant 0 : index
    %get3A_7 = vector.load %arg4[%get3A_5, %get3A_6] : memref<128x128xf32, #tpu.memory_space<vmem>>, vector<128x128xf32>
    %dot_general3A = arith.constant dense<0.000000e+00> : vector<1280x128xf32>
    %dot_general3A_8 = tpu.matmul %add3A, %get3A_7, %dot_general3A {dimension_numbers = #tpu.dot_dimension_numbers<[1], [0], [0], [1], [0, 0, 1, 1], [], []>, transpose_lhs_hint = false} : vector<1280x128xf32>, vector<128x128xf32>, vector<1280x128xf32> -> vector<1280x128xf32>
    %get3A_9 = arith.constant 0 : index
    %get3A_10 = vector.load %arg5[%get3A_9] : memref<128xf32, #tpu.memory_space<vmem>>, vector<128xf32>
    %broadcast_in_dim3A = vector.shape_cast %get3A_10 : vector<128xf32> to vector<1x128xf32>
    %add3A_11 = vector.broadcast %broadcast_in_dim3A : vector<1x128xf32> to vector<1280x128xf32>
    %add3A_12 = arith.addf %dot_general3A_8, %add3A_11 : vector<1280x128xf32>
    %get3A_13 = arith.constant 0 : index
    %get3A_14 = arith.constant 0 : index
    %get3A_15 = vector.load %arg6[%get3A_13, %get3A_14] : memref<128x128xf32, #tpu.memory_space<vmem>>, vector<128x128xf32>
    %dot_general3A_16 = arith.constant dense<0.000000e+00> : vector<1280x128xf32>
    %dot_general3A_17 = tpu.matmul %add3A_12, %get3A_15, %dot_general3A_16 {dimension_numbers = #tpu.dot_dimension_numbers<[1], [0], [0], [1], [0, 0, 1, 1], [], []>, transpose_lhs_hint = false} : vector<1280x128xf32>, vector<128x128xf32>, vector<1280x128xf32> -> vector<1280x128xf32>
    %add3A_18 = arith.addf %add3A, %dot_general3A_17 : vector<1280x128xf32>
    %get3A_19 = arith.constant 0 : index
    %get3A_20 = vector.load %arg7[%get3A_19] : memref<128xf32, #tpu.memory_space<vmem>>, vector<128xf32>
    %broadcast_in_dim3A_21 = vector.shape_cast %get3A_20 : vector<128xf32> to vector<1x128xf32>
    %add3A_22 = vector.broadcast %broadcast_in_dim3A_21 : vector<1x128xf32> to vector<1280x128xf32>
    %add3A_23 = arith.addf %add3A_18, %add3A_22 : vector<1280x128xf32>
    %get3A_24 = arith.constant 0 : index
    %get3A_25 = arith.constant 0 : index
    %get3A_26 = vector.load %arg8[%get3A_24, %get3A_25] : memref<128x128xf32, #tpu.memory_space<vmem>>, vector<128x128xf32>
    %dot_general3A_27 = arith.constant dense<0.000000e+00> : vector<1280x128xf32>
    %dot_general3A_28 = tpu.matmul %add3A_23, %get3A_26, %dot_general3A_27 {dimension_numbers = #tpu.dot_dimension_numbers<[1], [0], [0], [1], [0, 0, 1, 1], [], []>, transpose_lhs_hint = false} : vector<1280x128xf32>, vector<128x128xf32>, vector<1280x128xf32> -> vector<1280x128xf32>
    %get3A_29 = arith.constant 0 : index
    %get3A_30 = vector.load %arg9[%get3A_29] : memref<128xf32, #tpu.memory_space<vmem>>, vector<128xf32>
    %broadcast_in_dim3A_31 = vector.shape_cast %get3A_30 : vector<128xf32> to vector<1x128xf32>
    %add3A_32 = vector.broadcast %broadcast_in_dim3A_31 : vector<1x128xf32> to vector<1280x128xf32>
    %add3A_33 = arith.addf %dot_general3A_28, %add3A_32 : vector<1280x128xf32>
    %get3A_34 = arith.constant 0 : index
    %get3A_35 = arith.constant 0 : index
    %get3A_36 = vector.load %arg3[%get3A_34, %get3A_35] : memref<1280x128xf32, #tpu.memory_space<vmem>>, vector<1280x128xf32>
    %add3A_37 = arith.addf %get3A_36, %add3A_33 : vector<1280x128xf32>
    %get3A_38 = arith.constant 0 : index
    %get3A_39 = arith.constant 0 : index
    %get3A_40 = vector.load %arg10[%get3A_38, %get3A_39] : memref<128x128xf32, #tpu.memory_space<vmem>>, vector<128x128xf32>
    %dot_general3A_41 = arith.constant dense<0.000000e+00> : vector<1280x128xf32>
    %dot_general3A_42 = tpu.matmul %add3A_37, %get3A_40, %dot_general3A_41 {dimension_numbers = #tpu.dot_dimension_numbers<[1], [0], [0], [1], [0, 0, 1, 1], [], []>, transpose_lhs_hint = false} : vector<1280x128xf32>, vector<128x128xf32>, vector<1280x128xf32> -> vector<1280x128xf32>
    %get3A_43 = arith.constant 0 : index
    %get3A_44 = vector.load %arg11[%get3A_43] : memref<128xf32, #tpu.memory_space<vmem>>, vector<128xf32>
    %broadcast_in_dim3A_45 = vector.shape_cast %get3A_44 : vector<128xf32> to vector<1x128xf32>
    %add3A_46 = vector.broadcast %broadcast_in_dim3A_45 : vector<1x128xf32> to vector<1280x128xf32>
    %add3A_47 = arith.addf %dot_general3A_42, %add3A_46 : vector<1280x128xf32>
    %get3A_48 = arith.constant 0 : index
    %get3A_49 = arith.constant 0 : index
    %get3A_50 = vector.load %arg12[%get3A_48, %get3A_49] : memref<128x128xf32, #tpu.memory_space<vmem>>, vector<128x128xf32>
    %dot_general3A_51 = arith.constant dense<0.000000e+00> : vector<1280x128xf32>
    %dot_general3A_52 = tpu.matmul %add3A_47, %get3A_50, %dot_general3A_51 {dimension_numbers = #tpu.dot_dimension_numbers<[1], [0], [0], [1], [0, 0, 1, 1], [], []>, transpose_lhs_hint = false} : vector<1280x128xf32>, vector<128x128xf32>, vector<1280x128xf32> -> vector<1280x128xf32>
    %add3A_53 = arith.addf %add3A_37, %dot_general3A_52 : vector<1280x128xf32>
    %get3A_54 = arith.constant 0 : index
    %get3A_55 = vector.load %arg13[%get3A_54] : memref<128xf32, #tpu.memory_space<vmem>>, vector<128xf32>
    %broadcast_in_dim3A_56 = vector.shape_cast %get3A_55 : vector<128xf32> to vector<1x128xf32>
    %add3A_57 = vector.broadcast %broadcast_in_dim3A_56 : vector<1x128xf32> to vector<1280x128xf32>
    %add3A_58 = arith.addf %add3A_53, %add3A_57 : vector<1280x128xf32>
    %get3A_59 = arith.constant 0 : index
    %get3A_60 = arith.constant 0 : index
    %get3A_61 = vector.load %arg14[%get3A_59, %get3A_60] : memref<128x128xf32, #tpu.memory_space<vmem>>, vector<128x128xf32>
    %dot_general3A_62 = arith.constant dense<0.000000e+00> : vector<1280x128xf32>
    %dot_general3A_63 = tpu.matmul %add3A_58, %get3A_61, %dot_general3A_62 {dimension_numbers = #tpu.dot_dimension_numbers<[1], [0], [0], [1], [0, 0, 1, 1], [], []>, transpose_lhs_hint = false} : vector<1280x128xf32>, vector<128x128xf32>, vector<1280x128xf32> -> vector<1280x128xf32>
    %get3A_64 = arith.constant 0 : index
    %get3A_65 = vector.load %arg15[%get3A_64] : memref<128xf32, #tpu.memory_space<vmem>>, vector<128xf32>
    %broadcast_in_dim3A_66 = vector.shape_cast %get3A_65 : vector<128xf32> to vector<1x128xf32>
    %add3A_67 = vector.broadcast %broadcast_in_dim3A_66 : vector<1x128xf32> to vector<1280x128xf32>
    %add3A_68 = arith.addf %dot_general3A_63, %add3A_67 : vector<1280x128xf32>
    %get3A_69 = arith.constant 0 : index
    %get3A_70 = arith.constant 0 : index
    %get3A_71 = vector.load %arg16[%get3A_69, %get3A_70] : memref<128x128xf32, #tpu.memory_space<vmem>>, vector<128x128xf32>
    %dot_general3A_72 = arith.constant dense<0.000000e+00> : vector<1280x128xf32>
    %dot_general3A_73 = tpu.matmul %add3A_68, %get3A_71, %dot_general3A_72 {dimension_numbers = #tpu.dot_dimension_numbers<[1], [0], [0], [1], [0, 0, 1, 1], [], []>, transpose_lhs_hint = false} : vector<1280x128xf32>, vector<128x128xf32>, vector<1280x128xf32> -> vector<1280x128xf32>
    %add3A_74 = arith.addf %add3A_58, %dot_general3A_73 : vector<1280x128xf32>
    %get3A_75 = arith.constant 0 : index
    %get3A_76 = vector.load %arg17[%get3A_75] : memref<128xf32, #tpu.memory_space<vmem>>, vector<128xf32>
    %broadcast_in_dim3A_77 = vector.shape_cast %get3A_76 : vector<128xf32> to vector<1x128xf32>
    %add3A_78 = vector.broadcast %broadcast_in_dim3A_77 : vector<1x128xf32> to vector<1280x128xf32>
    %add3A_79 = arith.addf %add3A_74, %add3A_78 : vector<1280x128xf32>
    %swap3A = arith.constant 0 : index
    %swap3A_80 = arith.constant 0 : index
    %swap3A_81 = vector.load %arg18[%swap3A, %swap3A_80] : memref<1280x128xf32, #tpu.memory_space<vmem>>, vector<1280x128xf32>
    tpu.vector_store %arg18[%swap3A, %swap3A_80], %add3A_79 {strides = array<i32>} : memref<1280x128xf32, #tpu.memory_space<vmem>>, vector<1280x128xf32>,
    return
  }
  func.func @transform_0(%arg0: i32) -> (i32, i32) {
    %c0_i32 = arith.constant 0 : i32
    %c0_i32_0 = arith.constant 0 : i32
    return %arg0, %c0_i32 : i32, i32
  }
  func.func @transform_1(%arg0: i32) -> (i32, i32) {
    %c0_i32 = arith.constant 0 : i32
    %c0_i32_0 = arith.constant 0 : i32
    return %arg0, %c0_i32 : i32, i32
  }
  func.func @transform_2(%arg0: i32) -> (i32, i32) {
    %c0_i32 = arith.constant 0 : i32
    %c0_i32_0 = arith.constant 0 : i32
    return %arg0, %c0_i32 : i32, i32
  }
  func.func @transform_3(%arg0: i32) -> (i32, i32) {
    %c0_i32 = arith.constant 0 : i32
    %c0_i32_0 = arith.constant 0 : i32
    %c0_i32_1 = arith.constant 0 : i32
    return %c0_i32, %c0_i32_0 : i32, i32
  }
  func.func @transform_4(%arg0: i32) -> i32 {
    %c0_i32 = arith.constant 0 : i32
    %c0_i32_0 = arith.constant 0 : i32
    return %c0_i32 : i32
  }
  func.func @transform_5(%arg0: i32) -> (i32, i32) {
    %c0_i32 = arith.constant 0 : i32
    %c0_i32_0 = arith.constant 0 : i32
    %c0_i32_1 = arith.constant 0 : i32
    return %c0_i32, %c0_i32_0 : i32, i32
  }
  func.func @transform_6(%arg0: i32) -> i32 {
    %c0_i32 = arith.constant 0 : i32
    %c0_i32_0 = arith.constant 0 : i32
    return %c0_i32 : i32
  }
  func.func @transform_7(%arg0: i32) -> (i32, i32) {
    %c0_i32 = arith.constant 0 : i32
    %c0_i32_0 = arith.constant 0 : i32
    %c0_i32_1 = arith.constant 0 : i32
    return %c0_i32, %c0_i32_0 : i32, i32
  }
  func.func @transform_8(%arg0: i32) -> i32 {
    %c0_i32 = arith.constant 0 : i32
    %c0_i32_0 = arith.constant 0 : i32
    return %c0_i32 : i32
  }
  func.func @transform_9(%arg0: i32) -> (i32, i32) {
    %c0_i32 = arith.constant 0 : i32
    %c0_i32_0 = arith.constant 0 : i32
    %c0_i32_1 = arith.constant 0 : i32
    return %c0_i32, %c0_i32_0 : i32, i32
  }
  func.func @transform_10(%arg0: i32) -> i32 {
    %c0_i32 = arith.constant 0 : i32
    %c0_i32_0 = arith.constant 0 : i32
    return %c0_i32 : i32
  }
  func.func @transform_11(%arg0: i32) -> (i32, i32) {
    %c0_i32 = arith.constant 0 : i32
    %c0_i32_0 = arith.constant 0 : i32
    %c0_i32_1 = arith.constant 0 : i32
    return %c0_i32, %c0_i32_0 : i32, i32
  }
  func.func @transform_12(%arg0: i32) -> i32 {
    %c0_i32 = arith.constant 0 : i32
    %c0_i32_0 = arith.constant 0 : i32
    return %c0_i32 : i32
  }
  func.func @transform_13(%arg0: i32) -> (i32, i32) {
    %c0_i32 = arith.constant 0 : i32
    %c0_i32_0 = arith.constant 0 : i32
    %c0_i32_1 = arith.constant 0 : i32
    return %c0_i32, %c0_i32_0 : i32, i32
  }
  func.func @transform_14(%arg0: i32) -> i32 {
    %c0_i32 = arith.constant 0 : i32
    %c0_i32_0 = arith.constant 0 : i32
    return %c0_i32 : i32
  }
  func.func @transform_15(%arg0: i32) -> (i32, i32) {
    %c0_i32 = arith.constant 0 : i32
    %c0_i32_0 = arith.constant 0 : i32
    %c0_i32_1 = arith.constant 0 : i32
    return %c0_i32, %c0_i32_0 : i32, i32
  }
  func.func @transform_16(%arg0: i32) -> i32 {
    %c0_i32 = arith.constant 0 : i32
    %c0_i32_0 = arith.constant 0 : i32
    return %c0_i32 : i32
  }
  func.func @transform_17(%arg0: i32) -> (i32, i32) {
    %c0_i32 = arith.constant 0 : i32
    %c0_i32_0 = arith.constant 0 : i32
    return %arg0, %c0_i32 : i32, i32
  }
}

</mosaic_0001>

<sc_bundles>
// kernel: kernel.10.cloned.1.call-start
scs
__scs_entry_jumppad:
0x0: {  	(pc) =	sbr.rel $0x88, $3  }
0x1: {  	(tag) =	ssettag $0x0;
	lr =	simm.s32 $0x1  }
0x2: {  	[smem:$0x3F88] =	sst lr;
	_ =	strace $0xD0000000  }
0x3: {  	_ = 	snop  }
0x4: {  	_ = 	snop  }
0x5: {  	_ = 	snop  }
0x6: {  	_ = 	snop  }
0x7: {  	_ = 	snop  }
__scs_overlays_trampoline_lowered:
0x8: {  	[smem:$0x3F97] =	sst s0  }
0x9: {  	[smem:$0x3F98] =	sst s1  }
0xa: {  	[smem:$0x3F99] =	sst s2  }
0xb: {  	[smem:$0x3F9A] =	sst s3  }
0xc: {  	[smem:$0x3F9B] =	sst s4  }
0xd: {  	[smem:$0x3F9C] =	sst s5  }
0xe: {  	[smem:$0x3F9D] =	sst s6  }
0xf: {  	[smem:$0x3F9E] =	sst s7  }
0x10: {  	[smem:$0x3F9F] =	sst s8  }
0x11: {  	[smem:$0x3FA0] =	sst s9;
	s0 =	simm.s32 @!p0 $0x0  }
0x12: {  	s1 =	sld [smem:$0x3F86];
	s0 =	simm.s32 @p0 $0x1  }
0x13: {  	[smem:$0x3FA1] =	sst s0;
	s0 =	simm.s32 @!p1 $0x0  }
0x14: {  	s2 =	sld [smem:$0x3F85];
	s0 =	simm.s32 @p1 $0x1  }
0x15: {  	[smem:$0x3FA2] =	sst s0;
	s0 =	simm.s32 @!p2 $0x0  }
0x16: {  	s3 =	sld [smem:$0x3FDB];
	s0 =	simm.s32 @p2 $0x1  }
0x17: {  	s4 =	simm.s32 $0x1BF5;
	[smem:$0x3FA4] =	sst s0  }
0x18: {  	s0 =	sld [smem:$0x3F87];
	_ =	swait.ge [sflag:s4], $0x0  }
0x19: {  	s7 =	sld [smem:$0x3F88]  }
0x1a: {  	s8 =	sadd.s32 $0xFFFFE003, lr  }
0x1b: {  	s9 =	sadd.s32 $0xFFFFFEF7, lr;
	s5 =	simm.s32 $0xFFFFFFFF;
	p2 =	slt.u32 s8, $0xFFFFF086  }
0x1c: {  	p1 =	slt.u32 s9, $0xF7A;
	s5 =	simm.s32 @!p2 $0x0  }
0x1d: {  	s5 =	simm.s32 @p1 $0x1;
	p0 =	seq.s32 s7, s2  }
0x1e: {  	s7 =	smul.u32 @!p0 $0xF7A, s2;
	p2 =	seq.s32 @!p0 s5, $0x0  }
0x1f: {  	s9 =	smul.u32 $0xF7A, s1;
	s8 =	simm.s32 @!p0 $0x1BF5;
	p2 =	por !p2, p0  }
0x20: {  	[sflag:s8] =	ssyncset.s32 @!p0 $0xFFFFF086;
	s6 =	sadd.s32 @!p0 s3, s7;
	s7 =	simm.s32 @!p0 $0x108  }
0x21: {  	s3 =	sadd.s32 s3, s9;
	s6 =	sadd.s32 @!p0 $0x88, s6;
	s7 =	simm.s32 @p2 $0x1082  }
0x22: {  	[simem:s7], [sflag:s8] =	dma.local @!p0 [hbm:s6], $0xF7A  }
0x23: {  	s9 =	sor.u32 $0xD0000000, s2;
	s6 =	simm.s32 $0x108;
	_ =	swait.ge @!p0 [sflag:s8], $0x0  }
0x24: {  	s3 =	sadd.s32 $0x88, s3;
	s6 =	simm.s32 @!p1 $0x1082;
	[sflag:s4] =	ssyncset.s32 $0xFFFFF086  }
0x25: {  	[simem:s6], [sflag:s4] =	dma.local [hbm:s3], $0xF7A  }
0x26: {  	[smem:$0x3F88] =	sst s1;
	(tag) =	ssettag s2;
	_ =	strace s9  }
0x27: {  	s1 =	sld [smem:$0x3F98]  }
0x28: {  	s2 =	sld [smem:$0x3F99]  }
0x29: {  	s4 =	sld [smem:$0x3F9B]  }
0x2a: {  	p0 =	seq.s32 s5, $0x0;
	s5 =	sld [smem:$0x3F9C]  }
0x2b: {  	s6 =	sld [smem:$0x3F9D]  }
0x2c: {  	s7 =	sld [smem:$0x3F9E]  }
0x2d: {  	s3 =	simm.s32 $0x108;
	s8 =	sld [smem:$0x3F9F]  }
0x2e: {  	s3 =	simm.s32 @!p0 $0x1082;
	s9 =	sld [smem:$0x3FA0]  }
0x2f: {  	lr =	sadd.s32 s0, s3;
	s0 =	sld [smem:$0x3F97]  }
0x30: {  	s3 =	sld [smem:$0x3F9A]  }
0x31: {  	[smem:$0x3FA3] =	sst s10  }
0x32: {  	s10 =	sld [smem:$0x3FA1];
	_ =	sdelay $0x3  }
0x33: {  	p0 =	seq.s32 s10, $0x1;
	s10 =	sld [smem:$0x3FA3];
	_ =	sdelay $0x3  }
0x34: {  	[smem:$0x3FA3] =	sst s10  }
0x35: {  	s10 =	sld [smem:$0x3FA2];
	_ =	sdelay $0x3  }
0x36: {  	p1 =	seq.s32 s10, $0x1;
	s10 =	sld [smem:$0x3FA3];
	_ =	sdelay $0x3  }
0x37: {  	[smem:$0x3FA3] =	sst s10  }
0x38: {  	s10 =	sld [smem:$0x3FA4]  }
0x39: {  	_ = 	snop;
	(pc) =	sbr.ind lr, $3  }
0x3a: {  	_ = 	snop  }
0x3b: {  	_ = 	snop  }
0x3c: {  	p2 =	seq.s32 s10, $0x1;
	s10 =	sld [smem:$0x3FA3]  }
0x3d: {  	_ =	shalt  }
0x3e: {  	_ =	shalt  }
0x3f: {  	_ =	shalt  }
0x40: {  	_ =	shalt  }
0x41: {  	_ =	shalt  }
0x42: {  	_ =	shalt  }
0x43: {  	_ =	shalt  }
0x44: {  	_ =	shalt  }
0x45: {  	_ =	shalt  }
0x46: {  	_ =	shalt  }
0x47: {  	_ =	shalt  }
0x48: {  	_ =	shalt  }
0x49: {  	_ =	shalt  }
0x4a: {  	_ =	shalt  }
0x4b: {  	_ =	shalt  }
0x4c: {  	_ =	shalt  }
0x4d: {  	_ =	shalt  }
0x4e: {  	_ =	shalt  }
0x4f: {  	_ =	shalt  }
0x50: {  	_ =	shalt  }
0x51: {  	_ =	shalt  }
0x52: {  	_ =	shalt  }
0x53: {  	_ =	shalt  }
0x54: {  	_ =	shalt  }
0x55: {  	_ =	shalt  }
0x56: {  	_ =	shalt  }
0x57: {  	_ =	shalt  }
0x58: {  	_ =	shalt  }
0x59: {  	_ =	shalt  }
0x5a: {  	_ =	shalt  }
0x5b: {  	_ =	shalt  }
0x5c: {  	_ =	shalt  }
0x5d: {  	_ =	shalt  }
0x5e: {  	_ =	shalt  }
0x5f: {  	_ =	shalt  }
0x60: {  	_ =	shalt  }
0x61: {  	_ =	shalt  }
0x62: {  	_ =	shalt  }
0x63: {  	_ =	shalt  }
0x64: {  	_ =	shalt  }
0x65: {  	_ =	shalt  }
0x66: {  	_ =	shalt  }
0x67: {  	_ =	shalt  }
0x68: {  	_ =	shalt  }
0x69: {  	_ =	shalt  }
0x6a: {  	_ =	shalt  }
0x6b: {  	_ =	shalt  }
0x6c: {  	_ =	shalt  }
0x6d: {  	_ =	shalt  }
0x6e: {  	_ =	shalt  }
0x6f: {  	_ =	shalt  }
0x70: {  	_ =	shalt  }
0x71: {  	_ =	shalt  }
0x72: {  	_ =	shalt  }
0x73: {  	_ =	shalt  }
0x74: {  	_ =	shalt  }
0x75: {  	_ =	shalt  }
0x76: {  	_ =	shalt  }
0x77: {  	_ =	shalt  }
0x78: {  	_ =	shalt  }
0x79: {  	_ =	shalt  }
0x7a: {  	_ =	shalt  }
0x7b: {  	_ =	shalt  }
0x7c: {  	_ =	shalt  }
0x7d: {  	_ =	shalt  }
0x7e: {  	_ =	shalt  }
0x7f: {  	_ =	shalt  }
0x80: {  	_ =	shalt  }
0x81: {  	_ =	shalt  }
0x82: {  	_ =	shalt  }
0x83: {  	_ =	shalt  }
0x84: {  	_ =	shalt  }
0x85: {  	_ =	shalt  }
0x86: {  	_ =	shalt  }
0x87: {  	_ =	shalt  }
.Lfunc_end0:
.L_simem_size_0:
called_computation.1_lowered:
.L_overlay_start_0:
0x88: {  	s2 =	sld [smem:$0x3FD9]  }
0x89: {  	s3 =	sld [smem:$0x3FFE];
	_ =	sdelay $0x1  }
0x8a: {  	s1 =	srdreg.scid  }
0x8b: {  	s0 =	sand.u32 $0x1, s1  }
0x8c: {  	s17 =	sshll.u32 s0, $0xA;
	s2 =	sadd.s32 s3, s2  }
0x8d: {  	s2 =	sadd.s32 s2, s17  }
0x8e: {  	[smem:$0x3FAF] =	sst s2  }
0x8f: {  	_ = 	snop  }
0x90: {  	s2 =	sld [smem:$0x3FD0];
	(tm) =	ssettm $0x1  }
0x91: {  	s18 =	sld [smem:$0x3FFB];
	_ =	sdelay $0x3  }
0x92: {  	_ =	strace s18  }
0x93: {  	s3 =	sld [smem:$0x3FFC];
	_ =	sdelay $0x3  }
0x94: {  	_ =	strace s3  }
0x95: {  	s3 =	sld [smem:$0x3FFD];
	_ =	sdelay $0x3  }
0x96: {  	_ =	strace s3  }
0x97: {  	_ =	strace $0x8FFFFFFF  }
0x98: {  	s19 =	sld [smem:$0x3FDB];
	_ =	sdelay $0x1  }
0x99: {  	s4 =	simm.s32 $_scs_section_size  }
0x9a: {  	s5 =	simm.s32 $_size__tile_overlayer_lowered;
	s6 =	simm.s32 $_tile_overlayer_lowered  }
0x9b: {  	s22 =	simm.s32 $0x1BFF;
	s21 =	sshll.u32 s6, $0x1;
	s3 =	sadd.s32 s4, s19  }
0x9c: {  	s7 =	simm.s32 $0x0;
	s20 =	sshll.u32 s5, $0x1;
	s5 =	sadd.s32 s21, s3  }
0x9d: {  	[timem:s7], [sflag:s22] =	dma.local [hbm:s5], s20  }
0x9e: {  	_ =	swait.ge [sflag:s22], s20  }
0x9f: {  	s4 =	ssub.s32 $0x0, s20;
	[sflag:s22] =	ssyncset.done $0x0  }
0xa0: {  	[sflag:s22] =	ssyncadd.s32 s4;
	_ =	sdelay $0x1  }
0xa1: {  	s23 =	simm.s32 $0x1B8B  }
0xa2: {  	_ =	swait.ge [sflag:s23], $0x1  }
0xa3: {  	[sflag:s23] =	ssyncset.done $0x0  }
0xa4: {  	s25 =	simm.s32 $0x1B8E;
	s24 =	sld [smem:$0x3FFE];
	[sflag:s23] =	ssyncadd.s32 $0xFFFFFFFF  }
0xa5: {  	s26 =	simm.s32 $execute0_lowered;
	[smem:$0x3FD2] =	sst s25  }
0xa6: {  	s5 =	sshll.u32 s26, $0x1;
	_ =	strace $0x80000049;
	[dreg:$0x1] =	wrdreg $0xFFFFFFFF  }
0xa7: {  	s28 =	simm.s32 $_size_execute0_lowered;
	s3 =	sadd.s32 s3, s5;
	[dreg:$0x0] =	wrdreg $0x0  }
0xa8: {  	s5 =	sshll.u32 s28, $0x1;
	[dreg:$0x2] =	wrdreg s3  }
0xa9: {  	[dreg:$0x3] =	wrdreg s5  }
0xaa: {  	[dreg:$0x4] =	wrdreg $0xC0  }
0xab: {  	_ =	task [dreg:s7], $0x5FFFF  }
0xac: {  	[dreg:$0x1] =	wrdreg $0xFFFFFFFF  }
0xad: {  	[dreg:$0x0] =	wrdreg $0x60  }
0xae: {  	[dreg:$0x2] =	wrdreg s24  }
0xaf: {  	[dreg:$0x3] =	wrdreg s2  }
0xb0: {  	[dreg:$0x4] =	wrdreg $0xBC000  }
0xb1: {  	[dreg:$0x5] =	wrdreg $0x9  }
0xb2: {  	_ =	task.clear_ibuf [dreg:s7], $0x6FFFF;
	_ =	strace $0x90000049  }
0xb3: {  	s29 =	simm.s32 $0x9;
	_ =	strace $0x8000004B  }
0xb4: {  	_ =	swait.ge [sflag:s29], $0x1  }
0xb5: {  	[sflag:s29] =	ssyncadd.s32 $0xFFFFFFFF  }
0xb6: {  	_ =	strace $0x9000004B  }
0xb7: {  	_ =	sfence  }
0xb8: {  	s30 =	sld [smem:$0x0];
	_ =	sdelay $0x2  }
0xb9: {  	s31 =	sshll.u32 s1, $0xD;
	s1 =	sshrl.u32 s1, $0x2  }
0xba: {  	s3 =	sand.u32 $0x4000, s31;
	s1 =	sadd.s32 s1, s30  }
0xbb: {  	s0 =	sor.u32 s3, s0;
	s1 =	sshll.u32 s1, $0x11  }
0xbc: {  	s0 =	sor.u32 s1, s0  }
0xbd: {  	s0 =	sadd.s32 $0x8F2B, s0  }
0xbe: {  	[sflag:s0] =	ssyncadd.remote.s32 $0x1  }
0xbf: {  	_ =	sfence.sel $0xFFFF  }
0xc0: {  	[dreg:$0x0] =	wrdreg $0xFFFFFFFF;
	(pc) =	sbr.abs _section_cstart, $3  }
0xc1: {  	[dreg:$0x1] =	wrdreg $0xFFFFFFFF  }
0xc2: {  	_ =	task.clear_ibuf [dreg:s7], $0x2FFFF;
	_ =	strace $0x9FFFFFFF  }
0xc3: {  	(tm) =	ssettm $0x7FFFFFFF  }
tec
execute0_lowered:
.L_overlay_start_1:
0x0: {  	(tag) =	ssettag $0x1  }
0x1: {  	s7 =	rddreg [dreg:$0x0]  }
0x2: {  	s1 =	rddreg [dreg:$0x1]  }
0x3: {  	s2 =	rddreg [dreg:$0x2]  }
0x4: {  	s0 =	rddreg [dreg:$0x3];
	s3 =	simm.s32 $0x0  }
0x5: {  	s4 =	stileid.u32;
	s6 =	srdreg.scid;
	s15 =	simm.s32 $0xB800  }
0x6: {  	s16 =	simm.s32 $0x2780;
	s17 =	simm.s32 $0x4F80;
	s18 =	simm.s32 $0x80  }
0x7: {  	s19 =	simm.s32 $0x7780;
	s20 =	simm.s32 $0x1;
	s21 =	simm.s32 $0x0  }
0x8: {  	[smem:$0x7FF] =	sst s3;
	s5 =	smul.u32 $0x2710, s4;
	s6 =	sand.u32 $0x1, s6  }
0x9: {  	s9 =	smul.u32 $0x50000, s4;
	p0 =	sne.s32 s4, $0x0;
	_ =	strace $0x8000004A  }
.Ltmp0:
0xa: {  	s11 =	ssub.s32 $0x2, s6;
	s8 =	sshrl.u32 s5, $0x3;
	(pc) =	sbr.rel .LBB2_1-.Ltmp0, $4  }
0xb: {  	v0 =	vimm.f32 $0.0e+00;
	v1 =	vlaneseq.u32;
	s12 =	sshrl.u32 s11, $0x1;
	s13 =	sshrl.u32 s9, $0x2;
	s10 =	sadd.s32 s8, s7  }
0xc: {  	v2 =	vimm.s32 $0x0;
	v3 =	vimm.s32 $0x2800;
	v4 =	vor.u32 $0x10, v1;
	s7 =	sadd.s32 $0x4E00, s7;
	s8 =	smul.u32 $0x280, s4;
	s14 =	ssub.s32 s11, s12  }
0xd: {  	v5 =	vor.u32 $0x20, v1;
	v6 =	vor.u32 $0x30, v1;
	v7 =	vor.u32 $0x40, v1;
	s11 =	sadd.s32 $0x140000, s2;
	s9 =	sadd.s32 $0x27AE00, s10;
	s10 =	sadd.s32 s13, s2  }
0xe: {  	v8 =	vor.u32 $0x50, v1;
	v9 =	vor.u32 $0x60, v1;
	v10 =	vor.u32 $0x70, v1;
	s13 =	smax.u32 s14, $0x1;
	s14 =	simm.s32 $0x2;
	s12 =	ssub.s32 $0x26E81, s8  }
.LBB2_13:
0xf: {  	s21 =	sadd.s32 $0x1, s21  }
0x10: {  	p1 =	sne.s32 s21, s13  }
.Ltmp1:
0x11: {  	_ = 	snop;
	(pc) =	sbr.rel @!p1 .LBB2_14-.Ltmp1, $1  }
0x12: {  	_ =	sdelay $0x3  }
.LBB2_1:
0x13: {  	[tilespmem:$0xB800] =	vst v0  }
0x14: {  	[tilespmem:$0xB810] =	vst v0  }
0x15: {  	[tilespmem:$0xB820] =	vst v0  }
0x16: {  	[tilespmem:$0xB830] =	vst v0  }
0x17: {  	[tilespmem:$0xB840] =	vst v0  }
0x18: {  	[tilespmem:$0xB850] =	vst v0  }
0x19: {  	[tilespmem:$0xB860] =	vst v0  }
0x1a: {  	[tilespmem:$0xB870] =	vst v0  }
0x1b: {  	[tilespmem:$0xB880] =	vst v0  }
0x1c: {  	[tilespmem:$0xB890] =	vst v0  }
0x1d: {  	[tilespmem:$0xB8A0] =	vst v0  }
0x1e: {  	[tilespmem:$0xB8B0] =	vst v0  }
0x1f: {  	[tilespmem:$0xB8C0] =	vst v0  }
0x20: {  	[tilespmem:$0xB8D0] =	vst v0  }
0x21: {  	[tilespmem:$0xB8E0] =	vst v0  }
0x22: {  	[tilespmem:$0xB8F0] =	vst v0  }
0x23: {  	[tilespmem:$0xB900] =	vst v0  }
0x24: {  	[tilespmem:$0xB910] =	vst v0  }
0x25: {  	[tilespmem:$0xB920] =	vst v0  }
0x26: {  	[tilespmem:$0xB930] =	vst v0  }
0x27: {  	[tilespmem:$0xB940] =	vst v0  }
0x28: {  	[tilespmem:$0xB950] =	vst v0  }
0x29: {  	[tilespmem:$0xB960] =	vst v0  }
0x2a: {  	[tilespmem:$0xB970] =	vst v0  }
0x2b: {  	[tilespmem:$0xB980] =	vst v0  }
0x2c: {  	[tilespmem:$0xB990] =	vst v0  }
0x2d: {  	[tilespmem:$0xB9A0] =	vst v0  }
0x2e: {  	[tilespmem:$0xB9B0] =	vst v0  }
0x2f: {  	[tilespmem:$0xB9C0] =	vst v0  }
0x30: {  	[tilespmem:$0xB9D0] =	vst v0  }
0x31: {  	[tilespmem:$0xB9E0] =	vst v0  }
0x32: {  	[tilespmem:$0xB9F0] =	vst v0  }
0x33: {  	[tilespmem:$0xBA00] =	vst v0  }
0x34: {  	[tilespmem:$0xBA10] =	vst v0  }
0x35: {  	[tilespmem:$0xBA20] =	vst v0  }
0x36: {  	[tilespmem:$0xBA30] =	vst v0  }
0x37: {  	[tilespmem:$0xBA40] =	vst v0  }
0x38: {  	[tilespmem:$0xBA50] =	vst v0  }
0x39: {  	[tilespmem:$0xBA60] =	vst v0  }
0x3a: {  	[tilespmem:$0xBA70] =	vst v0  }
0x3b: {  	[tilespmem:$0xBA80] =	vst v0  }
0x3c: {  	[tilespmem:$0xBA90] =	vst v0  }
0x3d: {  	[tilespmem:$0xBAA0] =	vst v0  }
0x3e: {  	[tilespmem:$0xBAB0] =	vst v0  }
0x3f: {  	[tilespmem:$0xBAC0] =	vst v0  }
0x40: {  	[tilespmem:$0xBAD0] =	vst v0  }
0x41: {  	[tilespmem:$0xBAE0] =	vst v0  }
0x42: {  	[tilespmem:$0xBAF0] =	vst v0  }
0x43: {  	[tilespmem:$0xBB00] =	vst v0  }
0x44: {  	[tilespmem:$0xBB10] =	vst v0  }
0x45: {  	[tilespmem:$0xBB20] =	vst v0  }
0x46: {  	[tilespmem:$0xBB30] =	vst v0  }
0x47: {  	[tilespmem:$0xBB40] =	vst v0  }
0x48: {  	[tilespmem:$0xBB50] =	vst v0  }
0x49: {  	[tilespmem:$0xBB60] =	vst v0  }
0x4a: {  	[tilespmem:$0xBB70] =	vst v0  }
0x4b: {  	[tilespmem:$0xBB80] =	vst v0  }
0x4c: {  	[tilespmem:$0xBB90] =	vst v0  }
0x4d: {  	[tilespmem:$0xBBA0] =	vst v0  }
0x4e: {  	[tilespmem:$0xBBB0] =	vst v0  }
0x4f: {  	[tilespmem:$0xBBC0] =	vst v0  }
0x50: {  	[tilespmem:$0xBBD0] =	vst v0  }
0x51: {  	[tilespmem:$0xBBE0] =	vst v0  }
.Ltmp2:
0x52: {  	[tilespmem:$0xBBF0] =	vst v0;
	(pc) =	sbr.rel .LBB2_2-.Ltmp2, $4  }
0x53: {  	[tilespmem:s3], [sflag:$0x2] =	stream.linear.gather [hbm4b:s9+s3], $0x2710, $0x38;
	[tilespmem:$0x1FC40] =	vst v63  }
0x54: {  	_ =	swait.ge [sflag:s14], $0x2710  }
0x55: {  	[sflag:s14] =	ssyncset.done $0x0  }
0x56: {  	s22 =	simm.s32 $0x0;
	[sflag:s14] =	ssyncadd.s32 $0xFFFFD8F0  }
.LBB2_11:
0x57: {  	[sflag:s14] =	ssyncadd.s32 $0xFFFFC000  }
.LBB2_12:
0x58: {  	p1 =	sge.u32 s23, s12  }
0x59: {  	s23 =	sadd.s32 @!p1 s8, s23  }
0x5a: {  	[bflag:$0x0] =	sbarrier.arrive $0xFFFF;
	s24 =	sshll.u32 @!p1 s4, $0x6;
	s23 =	sshll.u32 @!p1 s23, $0x4  }
0x5b: {  	s25 =	sshrl.u32 @!p1 s10, $0x3;
	s24 =	sor.u32 @!p1 $0x1C02, s24;
	s23 =	sadd.s32 @!p1 s7, s23  }
0x5c: {  	[hbm:s23], [sflag:s24] =	dma.local @!p1 [spmem:s25], $0x2800  }
0x5d: {  	s23 =	simm.s32 @!p1 $0x2  }
0x5e: {  	_ =	swait.ge @!p1 [sflag:s23], $0x2800  }
0x5f: {  	s22 =	sadd.s32 $0x1, s22;
	[sflag:s23] =	ssyncset.done @!p1 $0x0  }
0x60: {  	[sflag:s23] =	ssyncadd.s32 @!p1 $0xFFFFD800;
	p1 =	sne.s32 s22, $0x8  }
.Ltmp3:
0x61: {  	_ = 	snop;
	(pc) =	sbr.rel @!p1 .LBB2_13-.Ltmp3, $2  }
0x62: {  	_ =	sdelay $0x1  }
0x63: {  	[bflag:$0x0] =	sbarrier.arrive $0xFFFF;
	_ =	sdelay $0x1  }
.LBB2_2:
0x64: {  	s23 =	sadd.s32 $0x0, s10  }
0x65: {  	[spmem:s23] =	stream.linear.scatter [tilespmem:s15], [sflag:$0x2], $0x400, $0x38;
	[tilespmem:$0x1FC40] =	vst v63  }
0x66: {  	s23 =	simm.s32 $0x1000;
	_ =	swait.ge [sflag:s14], $0x400  }
.LBB2_3:
0x67: {  	s24 =	sshra.s32 s23, $0x2;
	[sflag:s14] =	ssyncset.done $0x0;
	p1 =	sne.s32 s23, $0x4F000  }
.Ltmp4:
0x68: {  	s24 =	sadd.s32 s24, s10;
	[sflag:s14] =	ssyncadd.s32 $0xFFFFFC00;
	(pc) =	sbr.rel @p1 .LBB2_3-.Ltmp4, $3  }
0x69: {  	[spmem:s24] =	stream.linear.scatter [tilespmem:s15], [sflag:$0x2], $0x400, $0x38;
	[tilespmem:$0x1FC40] =	vst v63  }
0x6a: {  	s23 =	sadd.s32 $0x1000, s23;
	_ =	sdelay $0x1  }
0x6b: {  	_ =	swait.ge [sflag:s14], $0x400  }
0x6c: {  	[sflag:s14] =	ssyncset.done $0x0  }
0x6d: {  	s23 =	simm.s32 @!p0 $0xB800;
	[sflag:s14] =	ssyncadd.s32 $0xFFFFFC00  }
0x6e: {  	v12 =	vimm.s32 $0x0;
	[spmem:s11] =	stream.linear.scatter @!p0 [tilespmem:s23], [sflag:$0x2], $0x400, $0x38;
	[tilespmem:$0x1FC40] =	vst v63  }
0x6f: {  	v13 =	vshll.u32 v12, $0x4;
	s23 =	simm.s32 @!p0 $0x2  }
0x70: {  	v11 =	vor.u32 v1, v13;
	_ =	swait.ge @!p0 [sflag:s23], $0x400  }
0x71: {  	vm0 =	vgt.s32 v11, $0x0;
	[sflag:s23] =	ssyncset.done @!p0 $0x0  }
0x72: {  	v14 =	vshra.s32 v13, $0x1F;
	v15 =	vsel vm0, $0x1, v2;
	[sflag:s23] =	ssyncadd.s32 @!p0 $0xFFFFFC00  }
0x73: {  	v16 =	vand.u32 $0x7F, v11;
	v15 =	vadd.s32 v15, v14;
	[bflag:$0x0] =	sbarrier.arrive $0xFFFF  }
0x74: {  	s30 =	simm.s32 $0x0;
	vm1 =	vne.s32 v16, $0x0;
	v14 =	vshrl.u32 v14, $0x19;
	vm13 =	vne.s32 v15, $0x1;
	[tilespmem:$0xB780] =	vst v12  }
0x75: {  	s24 =	sshll.u32 s22, $0x1;
	v11 =	vadd.s32 v14, v11;
	vm0 =	vmand vm1, vm13;
	v15 =	vld [tilespmem:s30+$0x0]  }
0x76: {  	s31 =	sor.u32 s6, s24;
	v11 =	vshrl.u32 v11, $0x7;
	v14 =	vsel vm0, $0xFFFFFFFF, v2  }
0x77: {  	s23 =	smul.u32 $0x2800, s31;
	v11 =	vadd.s32 v14, v11  }
0x78: {  	v14 =	vshll.u32 v11, $0x7  }
0x79: {  	v11 =	vmov s23;
	v13 =	vsub.s32 v13, v14  }
0x7a: {  	v13 =	vand.u32 $0xFFFFFF80, v13;
	v18 =	vsub.s32 v15, v11  }
0x7b: {  	v13 =	vadd.s32 v14, v13;
	vm14 =	vlt.u32 v18, $0x2800  }
0x7c: {  	v19 =	vor.u32 v16, v13;
	v14 =	vsel vm14, $0x1, v2  }
0x7d: {  	v12 =	vadd.s32 v14, v12  }
0x7e: {  	v13 =	vshll.u32 v12, $0x4  }
0x7f: {  	v15 =	vor.u32 v1, v13  }
0x80: {  	v14 =	vor.u32 s5, v1;
	vm15 =	vgt.s32 v15, $0x0  }
0x81: {  	v17 =	vshra.s32 v13, $0x1F;
	v20 =	vsel vm15, $0x1, v2;
	[tilespmem:v19+s16+$0x0] =	vst.idx.msk vm14, v14  }
0x82: {  	s25 =	simm.s32 $0x10;
	s26 =	simm.s32 $0x80;
	s24 =	smov.u32 s5;
	v16 =	vshrl.u32 v17, $0x19;
	v14 =	vand.u32 $0x7F, v15;
	v17 =	vadd.s32 v20, v17;
	[tilespmem:v19+s17+$0x0] =	vst.idx.msk vm14, v18  }
.LBB2_5:
0x83: {  	s29 =	smov.u32 s26  }
0x84: {  	s28 =	sshra.s32 s26, $0x2;
	vm0 =	vne.s32 v17, $0x1;
	vm1 =	vne.s32 v14, $0x0;
	[tilespmem:$0xB780] =	vst v12;
	s24 =	sadd.s32 $0x10, s24;
	s29 =	sadd.s32 $0x40, s26  }
0x85: {  	p1 =	sne.s32 s26, $0x9C00;
	v15 =	vadd.s32 v16, v15;
	vm0 =	vmand vm1, vm0;
	v17 =	vld [tilespmem:s25+$0x0];
	s25 =	smov.u32 s28  }
0x86: {  	v15 =	vshrl.u32 v15, $0x7;
	v16 =	vsel vm0, $0xFFFFFFFF, v2  }
0x87: {  	v15 =	vadd.s32 v16, v15  }
0x88: {  	v15 =	vshll.u32 v15, $0x7  }
0x89: {  	v13 =	vsub.s32 v13, v15  }
0x8a: {  	v13 =	vand.u32 $0xFFFFFF80, v13;
	v18 =	vsub.s32 v17, v11  }
0x8b: {  	v13 =	vadd.s32 v15, v13;
	vm0 =	vlt.u32 v18, $0x2800  }
0x8c: {  	v19 =	vor.u32 v14, v13;
	v15 =	vsel vm0, $0x1, v2  }
0x8d: {  	v12 =	vadd.s32 v15, v12  }
.Ltmp5:
0x8e: {  	v13 =	vshll.u32 v12, $0x4;
	(pc) =	sbr.rel @p1 .LBB2_5-.Ltmp5, $4  }
0x8f: {  	v15 =	vor.u32 v1, v13  }
0x90: {  	v14 =	vor.u32 s24, v1;
	vm1 =	vgt.s32 v15, $0x0  }
0x91: {  	v17 =	vshra.s32 v13, $0x1F;
	v20 =	vsel vm1, $0x1, v2;
	[tilespmem:v19+s16+$0x0] =	vst.idx.msk vm0, v14  }
0x92: {  	s26 =	smov.u32 s29;
	v16 =	vshrl.u32 v17, $0x19;
	v14 =	vand.u32 $0x7F, v15;
	v17 =	vadd.s32 v20, v17;
	[tilespmem:v19+s17+$0x0] =	vst.idx.msk vm0, v18  }
0x93: {  	[tilespmem:$0xB780] =	vst v12  }
0x94: {  	v18 =	vld [tilespmem:s25+$0x0];
	_ =	sdelay $0x4  }
0x95: {  	v11 =	vsub.s32 v18, v11  }
0x96: {  	vm0 =	vlt.u32 v11, $0x2800  }
0x97: {  	v60 =	vsel vm0, $0x1, v2  }
0x98: {  	v61 =	vadd.s32 v60, v12  }
0x99: {  	v18 =	vxor.u32 $0x80000000, v61  }
0x9a: {  	(xrf0) =	vmax.scan.msk.u32 $0xffff, v18;
	_ =	sdelay $0x5  }
0x9b: {  	v18, _, _ =	vpop (xrf0)  }
0x9c: {  	(v2sf) =	vpush v18, $0xF;
	_ =	sdelay $0xc  }
0x9d: {  	vm1 =	vne.s32 v17, $0x1;
	vm2 =	vne.s32 v14, $0x0  }
0x9e: {  	v15 =	vadd.s32 v16, v15;
	vm1 =	vmand vm2, vm1  }
0x9f: {  	v15 =	vshrl.u32 v15, $0x7;
	v62 =	vsel vm1, $0xFFFFFFFF, v2;
	s30 =	spop (v2sf)  }
0xa0: {  	v15 =	vadd.s32 v62, v15;
	s25 =	sshll.u32 s30, $0x4  }
0xa1: {  	v15 =	vshll.u32 v15, $0x7;
	s25 =	sadd.s32 $0x7F, s25  }
0xa2: {  	v13 =	vsub.s32 v13, v15;
	s26 =	sshra.s32 s25, $0x1F  }
0xa3: {  	v13 =	vand.u32 $0xFFFFFF80, v13;
	s28 =	sshrl.u32 s26, $0x19  }
0xa4: {  	v13 =	vadd.s32 v15, v13;
	s25 =	sadd.s32 s28, s25  }
0xa5: {  	v13 =	vor.u32 v14, v13;
	s31 =	sshra.s32 s25, $0x7  }
0xa6: {  	s25 =	sadd.s32 s26, s31  }
0xa7: {  	p1 =	slt.s32 s25, $0x1  }
.Ltmp6:
0xa8: {  	s24 =	sadd.s32 $0x10, s24;
	(pc) =	sbr.rel @p1 .LBB2_12-.Ltmp6, $4  }
0xa9: {  	v63 =	vor.u32 s24, v1  }
0xaa: {  	[tilespmem:v13+s16+$0x0] =	vst.idx.msk vm0, v63  }
0xab: {  	[tilespmem:v13+s17+$0x0] =	vst.idx.msk vm0, v11  }
0xac: {  	s24 =	simm.s32 $0x0;
	[tilespmem:$0xB780] =	vst v61  }
0xad: {  	v11 =	vld [tilespmem:$0xB780];
	_ =	sdelay $0x2  }
0xae: {  	v12 =	vmov s24  }
0xaf: {  	v13 =	vshll.u32 v12, $0x3  }
0xb0: {  	v12 =	vshll.u32 v12, $0x7;
	vm0 =	vge.s32 v13, v11  }
0xb1: {  	v14 =	vor.u32 v1, v12;
	v15 =	vor.u32 $0x1, v13  }
0xb2: {  	vm1 =	vge.s32 v15, v11  }
0xb3: {  	v55 =	vor.u32 v4, v12;
	v16 =	vor.u32 $0x2, v13  }
0xb4: {  	vm2 =	vge.s32 v16, v11  }
0xb5: {  	s26 =	simm.s32 $0x2780;
	v56 =	vor.u32 $0x3, v13;
	v17 =	vor.u32 v5, v12  }
0xb6: {  	s24 =	simm.s32 $0x4F80;
	vm3 =	vge.s32 v56, v11;
	[tilespmem:v14+s26+$0x0] =	vst.idx.msk vm0, v2  }
0xb7: {  	v57 =	vor.u32 $0x4, v13;
	v58 =	vor.u32 v6, v12;
	[tilespmem:v14+s24+$0x0] =	vst.idx.msk vm0, v3  }
0xb8: {  	vm4 =	vge.s32 v57, v11;
	[tilespmem:v55+s26+$0x0] =	vst.idx.msk vm1, v2  }
0xb9: {  	v59 =	vor.u32 $0x5, v13;
	v60 =	vor.u32 v7, v12;
	[tilespmem:v55+s24+$0x0] =	vst.idx.msk vm1, v3  }
0xba: {  	vm1 =	vge.s32 v59, v11;
	[tilespmem:v17+s26+$0x0] =	vst.idx.msk vm2, v2  }
0xbb: {  	v61 =	vor.u32 $0x6, v13;
	v62 =	vor.u32 v8, v12;
	[tilespmem:v17+s24+$0x0] =	vst.idx.msk vm2, v3  }
0xbc: {  	vm2 =	vge.s32 v61, v11;
	[tilespmem:v58+s26+$0x0] =	vst.idx.msk vm3, v2  }
0xbd: {  	v63 =	vor.u32 v9, v12;
	v13 =	vor.u32 $0x7, v13;
	[tilespmem:v58+s24+$0x0] =	vst.idx.msk vm3, v3  }
0xbe: {  	vm0 =	vge.s32 v13, v11;
	[tilespmem:v60+s26+$0x0] =	vst.idx.msk vm4, v2  }
0xbf: {  	p1 =	sne.s32 s25, $0x1;
	v11 =	vor.u32 v10, v12;
	[tilespmem:v60+s24+$0x0] =	vst.idx.msk vm4, v3  }
.Ltmp7:
0xc0: {  	[tilespmem:v62+s26+$0x0] =	vst.idx.msk vm1, v2;
	(pc) =	sbr.rel @!p1 .LBB2_9-.Ltmp7, $4  }
0xc1: {  	[tilespmem:v62+s24+$0x0] =	vst.idx.msk vm1, v3  }
0xc2: {  	[tilespmem:v63+s26+$0x0] =	vst.idx.msk vm2, v2  }
0xc3: {  	[tilespmem:v63+s24+$0x0] =	vst.idx.msk vm2, v3  }
0xc4: {  	s28 =	simm.s32 $0x1;
	[tilespmem:v11+s26+$0x0] =	vst.idx.msk vm0, v2  }
.LBB2_8:
0xc5: {  	[tilespmem:v11+s24+$0x0] =	vst.idx.msk vm0, v3;
	s26 =	smov.u32 s28;
	s28 =	sadd.s32 $0x1, s28  }
0xc6: {  	v11 =	vld [tilespmem:$0xB780];
	p1 =	sne.s32 s25, s28;
	_ =	sdelay $0x2  }
0xc7: {  	v12 =	vmov s26  }
0xc8: {  	v13 =	vshll.u32 v12, $0x3  }
0xc9: {  	v12 =	vshll.u32 v12, $0x7;
	v14 =	vor.u32 $0x3, v13;
	vm0 =	vge.s32 v13, v11  }
0xca: {  	v15 =	vor.u32 v1, v12;
	v16 =	vor.u32 $0x1, v13;
	v17 =	vor.u32 $0x4, v13  }
0xcb: {  	v18 =	vor.u32 $0x6, v13;
	vm1 =	vge.s32 v16, v11;
	v16 =	vor.u32 $0x5, v13  }
0xcc: {  	v19 =	vor.u32 v4, v12;
	v20 =	vor.u32 $0x2, v13;
	v13 =	vor.u32 $0x7, v13  }
0xcd: {  	vm2 =	vge.s32 v20, v11  }
0xce: {  	s26 =	simm.s32 $0x2780;
	v20 =	vor.u32 v5, v12  }
0xcf: {  	vm3 =	vge.s32 v14, v11;
	[tilespmem:v15+s26+$0x0] =	vst.idx.msk vm0, v2  }
0xd0: {  	v14 =	vor.u32 v6, v12;
	[tilespmem:v15+s24+$0x0] =	vst.idx.msk vm0, v3  }
0xd1: {  	vm4 =	vge.s32 v17, v11;
	[tilespmem:v19+s26+$0x0] =	vst.idx.msk vm1, v2  }
0xd2: {  	v15 =	vor.u32 v7, v12;
	[tilespmem:v19+s24+$0x0] =	vst.idx.msk vm1, v3  }
0xd3: {  	vm1 =	vge.s32 v16, v11;
	[tilespmem:v20+s26+$0x0] =	vst.idx.msk vm2, v2  }
0xd4: {  	v16 =	vor.u32 v8, v12;
	[tilespmem:v20+s24+$0x0] =	vst.idx.msk vm2, v3  }
0xd5: {  	vm2 =	vge.s32 v18, v11;
	[tilespmem:v14+s26+$0x0] =	vst.idx.msk vm3, v2  }
0xd6: {  	[tilespmem:v14+s24+$0x0] =	vst.idx.msk vm3, v3;
	v14 =	vor.u32 v9, v12  }
0xd7: {  	vm0 =	vge.s32 v13, v11;
	[tilespmem:v15+s26+$0x0] =	vst.idx.msk vm4, v2  }
0xd8: {  	v11 =	vor.u32 v10, v12;
	[tilespmem:v15+s24+$0x0] =	vst.idx.msk vm4, v3  }
.Ltmp8:
0xd9: {  	[tilespmem:v16+s26+$0x0] =	vst.idx.msk vm1, v2;
	(pc) =	sbr.rel @p1 .LBB2_8-.Ltmp8, $4  }
0xda: {  	[tilespmem:v16+s24+$0x0] =	vst.idx.msk vm1, v3  }
0xdb: {  	[tilespmem:v14+s26+$0x0] =	vst.idx.msk vm2, v2  }
0xdc: {  	[tilespmem:v14+s24+$0x0] =	vst.idx.msk vm2, v3  }
0xdd: {  	[tilespmem:v11+s26+$0x0] =	vst.idx.msk vm0, v2  }
.LBB2_9:
0xde: {  	_ =	sdelay $0x4  }
0xdf: {  	[tilespmem:v11+s24+$0x0] =	vst.idx.msk vm0, v3  }
0xe0: {  	[tilespmem:s19], [sflag:$0x1] =	stream.indirect.gather [hbm4b:s1+s18], $0x80, s26, s18, $0xb8;
	[tilespmem:$0x1FC40] =	vst v63  }
0xe1: {  	p1 =	sne.s32 s25, $0x1;
	_ =	swait.ge [sflag:s20], $0x4000  }
.Ltmp9:
0xe2: {  	[sflag:s20] =	ssyncset.done $0x0;
	(pc) =	sbr.rel @!p1 .LBB2_11-.Ltmp9, $4  }
0xe3: {  	[sflag:s20] =	ssyncadd.s32 $0xFFFFC000  }
0xe4: {  	[spmem:s2] =	stream.indirect.scatter.add.f32 [tilespmem:s19], [sflag:$0x2], $0x80, s24, s18, $0xb8;
	[tilespmem:$0x1FC40] =	vst v63  }
0xe5: {  	_ =	swait.ge [sflag:s14], $0x4000  }
0xe6: {  	s25 =	sadd.s32 $0xFFFFFFFF, s25;
	[sflag:s14] =	ssyncset.done $0x0  }
.LBB2_10:
0xe7: {  	[sflag:s14] =	ssyncadd.s32 $0xFFFFC000;
	s26 =	sadd.s32 $0x80, s26;
	s24 =	sadd.s32 $0x80, s24  }
0xe8: {  	[tilespmem:s19], [sflag:$0x1] =	stream.indirect.gather [hbm4b:s1+s18], $0x80, s26, s18, $0xb8;
	[tilespmem:$0x1FC40] =	vst v63  }
0xe9: {  	p1 =	sne.s32 s25, $0x1;
	s25 =	sadd.s32 $0xFFFFFFFF, s25;
	_ =	swait.ge [sflag:s20], $0x4000  }
.Ltmp10:
0xea: {  	[sflag:s20] =	ssyncset.done $0x0;
	(pc) =	sbr.rel @p1 .LBB2_10-.Ltmp10, $4  }
0xeb: {  	[sflag:s20] =	ssyncadd.s32 $0xFFFFC000  }
0xec: {  	[spmem:s2] =	stream.indirect.scatter.add.f32 [tilespmem:s19], [sflag:$0x2], $0x80, s24, s18, $0xb8;
	[tilespmem:$0x1FC40] =	vst v63  }
0xed: {  	_ =	swait.ge [sflag:s14], $0x4000  }
0xee: {  	[sflag:s14] =	ssyncset.done $0x0  }
.Ltmp11:
0xef: {  	_ = 	snop;
	(pc) =	sbr.rel .LBB2_11-.Ltmp11, $1  }
0xf0: {  	_ =	sdelay $0x3  }
.LBB2_14:
0xf1: {  	_ =	sfence.sel $0x180000  }
0xf2: {  	[bflag:$0x0] =	sbarrier.arrive $0xFFFF  }
0xf3: {  	_ =	strace $0x9000004A  }
0xf4: {  	s0 =	sadd.s32 @!p0 $0x100000, s0;
	[bflag:$0x2] =	sbarrier.arrive $0xFFFF  }
0xf5: {  	[sflag:s0] =	ssyncadd.tile.s32 @!p0 $0x1;
	_ =	shalt  }
.Lfunc_end2:
_tile_overlayer_lowered:
.L_overlay_start_2:
0xf6: {  	(tag) =	ssettag $0x2  }
0xf7: {  	s0 =	rddreg [dreg:$0x0];
	s2 =	stileid.u32  }
0xf8: {  	s1 =	rddreg [dreg:$0x1];
	p0 =	sne.s32 s2, $0x0  }
0xf9: {  	s3 =	rddreg [dreg:$0x2];
	[bflag:$0x3] =	sbarrier.arrive $0xFFFF;
	s2 =	simm.s32 @!p0 $0x1C02  }
0xfa: {  	[timem:s3], [sflag:s2] =	dma.local @!p0 [hbm:s0], s1  }
0xfb: {  	s0 =	simm.s32 @!p0 $0x2  }
0xfc: {  	_ =	swait.ge @!p0 [sflag:s0], s1  }
0xfd: {  	s1 =	ssub.s32 @!p0 $0x0, s1;
	[sflag:s0] =	ssyncset.done @!p0 $0x0  }
0xfe: {  	[sflag:s0] =	ssyncadd.s32 @!p0 s1  }
0xff: {  	[bflag:$0x3] =	sbarrier.arrive $0xFFFF  }
0x100: {  	_ =	shalt  }

// kernel: kernel.7.cloned.1.call-start
scs
__scs_entry_jumppad:
0x0: {  	(pc) =	sbr.rel $0x88, $3  }
0x1: {  	(tag) =	ssettag $0x0;
	lr =	simm.s32 $0x1  }
0x2: {  	[smem:$0x3F88] =	sst lr;
	_ =	strace $0xD0000000  }
0x3: {  	_ = 	snop  }
0x4: {  	_ = 	snop  }
0x5: {  	_ = 	snop  }
0x6: {  	_ = 	snop  }
0x7: {  	_ = 	snop  }
__scs_overlays_trampoline_lowered:
0x8: {  	[smem:$0x3F97] =	sst s0  }
0x9: {  	[smem:$0x3F98] =	sst s1  }
0xa: {  	[smem:$0x3F99] =	sst s2  }
0xb: {  	[smem:$0x3F9A] =	sst s3  }
0xc: {  	[smem:$0x3F9B] =	sst s4  }
0xd: {  	[smem:$0x3F9C] =	sst s5  }
0xe: {  	[smem:$0x3F9D] =	sst s6  }
0xf: {  	[smem:$0x3F9E] =	sst s7  }
0x10: {  	[smem:$0x3F9F] =	sst s8  }
0x11: {  	[smem:$0x3FA0] =	sst s9;
	s0 =	simm.s32 @!p0 $0x0  }
0x12: {  	s1 =	sld [smem:$0x3F86];
	s0 =	simm.s32 @p0 $0x1  }
0x13: {  	[smem:$0x3FA1] =	sst s0;
	s0 =	simm.s32 @!p1 $0x0  }
0x14: {  	s2 =	sld [smem:$0x3F85];
	s0 =	simm.s32 @p1 $0x1  }
0x15: {  	[smem:$0x3FA2] =	sst s0;
	s0 =	simm.s32 @!p2 $0x0  }
0x16: {  	s3 =	sld [smem:$0x3FDB];
	s0 =	simm.s32 @p2 $0x1  }
0x17: {  	s4 =	simm.s32 $0x1BF5;
	[smem:$0x3FA4] =	sst s0  }
0x18: {  	s0 =	sld [smem:$0x3F87];
	_ =	swait.ge [sflag:s4], $0x0  }
0x19: {  	s7 =	sld [smem:$0x3F88]  }
0x1a: {  	s8 =	sadd.s32 $0xFFFFE003, lr  }
0x1b: {  	s9 =	sadd.s32 $0xFFFFFEF7, lr;
	s5 =	simm.s32 $0xFFFFFFFF;
	p2 =	slt.u32 s8, $0xFFFFF086  }
0x1c: {  	p1 =	slt.u32 s9, $0xF7A;
	s5 =	simm.s32 @!p2 $0x0  }
0x1d: {  	s5 =	simm.s32 @p1 $0x1;
	p0 =	seq.s32 s7, s2  }
0x1e: {  	s7 =	smul.u32 @!p0 $0xF7A, s2;
	p2 =	seq.s32 @!p0 s5, $0x0  }
0x1f: {  	s9 =	smul.u32 $0xF7A, s1;
	s8 =	simm.s32 @!p0 $0x1BF5;
	p2 =	por !p2, p0  }
0x20: {  	[sflag:s8] =	ssyncset.s32 @!p0 $0xFFFFF086;
	s6 =	sadd.s32 @!p0 s3, s7;
	s7 =	simm.s32 @!p0 $0x108  }
0x21: {  	s3 =	sadd.s32 s3, s9;
	s6 =	sadd.s32 @!p0 $0x88, s6;
	s7 =	simm.s32 @p2 $0x1082  }
0x22: {  	[simem:s7], [sflag:s8] =	dma.local @!p0 [hbm:s6], $0xF7A  }
0x23: {  	s9 =	sor.u32 $0xD0000000, s2;
	s6 =	simm.s32 $0x108;
	_ =	swait.ge @!p0 [sflag:s8], $0x0  }
0x24: {  	s3 =	sadd.s32 $0x88, s3;
	s6 =	simm.s32 @!p1 $0x1082;
	[sflag:s4] =	ssyncset.s32 $0xFFFFF086  }
0x25: {  	[simem:s6], [sflag:s4] =	dma.local [hbm:s3], $0xF7A  }
0x26: {  	[smem:$0x3F88] =	sst s1;
	(tag) =	ssettag s2;
	_ =	strace s9  }
0x27: {  	s1 =	sld [smem:$0x3F98]  }
0x28: {  	s2 =	sld [smem:$0x3F99]  }
0x29: {  	s4 =	sld [smem:$0x3F9B]  }
0x2a: {  	p0 =	seq.s32 s5, $0x0;
	s5 =	sld [smem:$0x3F9C]  }
0x2b: {  	s6 =	sld [smem:$0x3F9D]  }
0x2c: {  	s7 =	sld [smem:$0x3F9E]  }
0x2d: {  	s3 =	simm.s32 $0x108;
	s8 =	sld [smem:$0x3F9F]  }
0x2e: {  	s3 =	simm.s32 @!p0 $0x1082;
	s9 =	sld [smem:$0x3FA0]  }
0x2f: {  	lr =	sadd.s32 s0, s3;
	s0 =	sld [smem:$0x3F97]  }
0x30: {  	s3 =	sld [smem:$0x3F9A]  }
0x31: {  	[smem:$0x3FA3] =	sst s10  }
0x32: {  	s10 =	sld [smem:$0x3FA1];
	_ =	sdelay $0x3  }
0x33: {  	p0 =	seq.s32 s10, $0x1;
	s10 =	sld [smem:$0x3FA3];
	_ =	sdelay $0x3  }
0x34: {  	[smem:$0x3FA3] =	sst s10  }
0x35: {  	s10 =	sld [smem:$0x3FA2];
	_ =	sdelay $0x3  }
0x36: {  	p1 =	seq.s32 s10, $0x1;
	s10 =	sld [smem:$0x3FA3];
	_ =	sdelay $0x3  }
0x37: {  	[smem:$0x3FA3] =	sst s10  }
0x38: {  	s10 =	sld [smem:$0x3FA4]  }
0x39: {  	_ = 	snop;
	(pc) =	sbr.ind lr, $3  }
0x3a: {  	_ = 	snop  }
0x3b: {  	_ = 	snop  }
0x3c: {  	p2 =	seq.s32 s10, $0x1;
	s10 =	sld [smem:$0x3FA3]  }
0x3d: {  	_ =	shalt  }
0x3e: {  	_ =	shalt  }
0x3f: {  	_ =	shalt  }
0x40: {  	_ =	shalt  }
0x41: {  	_ =	shalt  }
0x42: {  	_ =	shalt  }
0x43: {  	_ =	shalt  }
0x44: {  	_ =	shalt  }
0x45: {  	_ =	shalt  }
0x46: {  	_ =	shalt  }
0x47: {  	_ =	shalt  }
0x48: {  	_ =	shalt  }
0x49: {  	_ =	shalt  }
0x4a: {  	_ =	shalt  }
0x4b: {  	_ =	shalt  }
0x4c: {  	_ =	shalt  }
0x4d: {  	_ =	shalt  }
0x4e: {  	_ =	shalt  }
0x4f: {  	_ =	shalt  }
0x50: {  	_ =	shalt  }
0x51: {  	_ =	shalt  }
0x52: {  	_ =	shalt  }
0x53: {  	_ =	shalt  }
0x54: {  	_ =	shalt  }
0x55: {  	_ =	shalt  }
0x56: {  	_ =	shalt  }
0x57: {  	_ =	shalt  }
0x58: {  	_ =	shalt  }
0x59: {  	_ =	shalt  }
0x5a: {  	_ =	shalt  }
0x5b: {  	_ =	shalt  }
0x5c: {  	_ =	shalt  }
0x5d: {  	_ =	shalt  }
0x5e: {  	_ =	shalt  }
0x5f: {  	_ =	shalt  }
0x60: {  	_ =	shalt  }
0x61: {  	_ =	shalt  }
0x62: {  	_ =	shalt  }
0x63: {  	_ =	shalt  }
0x64: {  	_ =	shalt  }
0x65: {  	_ =	shalt  }
0x66: {  	_ =	shalt  }
0x67: {  	_ =	shalt  }
0x68: {  	_ =	shalt  }
0x69: {  	_ =	shalt  }
0x6a: {  	_ =	shalt  }
0x6b: {  	_ =	shalt  }
0x6c: {  	_ =	shalt  }
0x6d: {  	_ =	shalt  }
0x6e: {  	_ =	shalt  }
0x6f: {  	_ =	shalt  }
0x70: {  	_ =	shalt  }
0x71: {  	_ =	shalt  }
0x72: {  	_ =	shalt  }
0x73: {  	_ =	shalt  }
0x74: {  	_ =	shalt  }
0x75: {  	_ =	shalt  }
0x76: {  	_ =	shalt  }
0x77: {  	_ =	shalt  }
0x78: {  	_ =	shalt  }
0x79: {  	_ =	shalt  }
0x7a: {  	_ =	shalt  }
0x7b: {  	_ =	shalt  }
0x7c: {  	_ =	shalt  }
0x7d: {  	_ =	shalt  }
0x7e: {  	_ =	shalt  }
0x7f: {  	_ =	shalt  }
0x80: {  	_ =	shalt  }
0x81: {  	_ =	shalt  }
0x82: {  	_ =	shalt  }
0x83: {  	_ =	shalt  }
0x84: {  	_ =	shalt  }
0x85: {  	_ =	shalt  }
0x86: {  	_ =	shalt  }
0x87: {  	_ =	shalt  }
.Lfunc_end0:
.L_simem_size_0:
called_computation_lowered:
.L_overlay_start_0:
0x88: {  	s2 =	sld [smem:$0x3FD9]  }
0x89: {  	s3 =	sld [smem:$0x3FFE];
	_ =	sdelay $0x1  }
0x8a: {  	s1 =	srdreg.scid  }
0x8b: {  	s0 =	sand.u32 $0x1, s1  }
0x8c: {  	s16 =	sshll.u32 s0, $0xA;
	s2 =	sadd.s32 s3, s2  }
0x8d: {  	s2 =	sadd.s32 s2, s16  }
0x8e: {  	[smem:$0x3FAF] =	sst s2  }
0x8f: {  	_ = 	snop  }
0x90: {  	(tm) =	ssettm $0x1  }
0x91: {  	s17 =	sld [smem:$0x3FFB];
	_ =	sdelay $0x3  }
0x92: {  	_ =	strace s17  }
0x93: {  	s2 =	sld [smem:$0x3FFC];
	_ =	sdelay $0x3  }
0x94: {  	_ =	strace s2  }
0x95: {  	s2 =	sld [smem:$0x3FFD];
	_ =	sdelay $0x3  }
0x96: {  	_ =	strace s2  }
0x97: {  	_ =	strace $0x8FFFFFFF  }
0x98: {  	s18 =	sld [smem:$0x3FDB];
	_ =	sdelay $0x1  }
0x99: {  	s19 =	simm.s32 $_scs_section_size  }
0x9a: {  	s4 =	simm.s32 $_size__tile_overlayer_lowered;
	s5 =	simm.s32 $_tile_overlayer_lowered  }
0x9b: {  	s22 =	simm.s32 $0x1BFF;
	s21 =	sshll.u32 s5, $0x1;
	s2 =	sadd.s32 s19, s18  }
0x9c: {  	s6 =	simm.s32 $0x0;
	s20 =	sshll.u32 s4, $0x1;
	s4 =	sadd.s32 s21, s2  }
0x9d: {  	[timem:s6], [sflag:s22] =	dma.local [hbm:s4], s20  }
0x9e: {  	_ =	swait.ge [sflag:s22], s20  }
0x9f: {  	s3 =	ssub.s32 $0x0, s20;
	[sflag:s22] =	ssyncset.done $0x0  }
0xa0: {  	[sflag:s22] =	ssyncadd.s32 s3;
	_ =	sdelay $0x1  }
0xa1: {  	s23 =	simm.s32 $0x1B8B  }
0xa2: {  	_ =	swait.ge [sflag:s23], $0x1  }
0xa3: {  	[sflag:s23] =	ssyncset.done $0x0  }
0xa4: {  	s25 =	simm.s32 $0x1B8E;
	s24 =	sld [smem:$0x3FFE];
	[sflag:s23] =	ssyncadd.s32 $0xFFFFFFFF  }
0xa5: {  	s26 =	simm.s32 $execute0_lowered;
	[smem:$0x3FD2] =	sst s25  }
0xa6: {  	s4 =	sshll.u32 s26, $0x1;
	_ =	strace $0x80000046;
	[dreg:$0x1] =	wrdreg $0xFFFFFFFF  }
0xa7: {  	s28 =	simm.s32 $_size_execute0_lowered;
	s2 =	sadd.s32 s2, s4;
	[dreg:$0x0] =	wrdreg $0x0  }
0xa8: {  	s4 =	sshll.u32 s28, $0x1;
	[dreg:$0x2] =	wrdreg s2  }
0xa9: {  	[dreg:$0x3] =	wrdreg s4  }
0xaa: {  	[dreg:$0x4] =	wrdreg $0xC0  }
0xab: {  	_ =	task [dreg:s6], $0x5FFFF  }
0xac: {  	[dreg:$0x1] =	wrdreg $0xFFFFFFFF  }
0xad: {  	[dreg:$0x0] =	wrdreg $0x60  }
0xae: {  	[dreg:$0x2] =	wrdreg s24  }
0xaf: {  	[dreg:$0x3] =	wrdreg $0x9  }
0xb0: {  	_ =	task.clear_ibuf [dreg:s6], $0x4FFFF;
	_ =	strace $0x90000046  }
0xb1: {  	s29 =	simm.s32 $0x9;
	_ =	strace $0x80000048  }
0xb2: {  	_ =	swait.ge [sflag:s29], $0x1  }
0xb3: {  	[sflag:s29] =	ssyncadd.s32 $0xFFFFFFFF  }
0xb4: {  	_ =	strace $0x90000048  }
0xb5: {  	_ =	sfence  }
0xb6: {  	s30 =	sld [smem:$0x0];
	_ =	sdelay $0x2  }
0xb7: {  	s31 =	sshll.u32 s1, $0xD;
	s1 =	sshrl.u32 s1, $0x2  }
0xb8: {  	s3 =	sand.u32 $0x4000, s31;
	s1 =	sadd.s32 s1, s30  }
0xb9: {  	s0 =	sor.u32 s3, s0;
	s1 =	sshll.u32 s1, $0x11  }
0xba: {  	s0 =	sor.u32 s1, s0  }
0xbb: {  	s0 =	sadd.s32 $0x8F2B, s0  }
0xbc: {  	[sflag:s0] =	ssyncadd.remote.s32 $0x1  }
0xbd: {  	_ =	sfence.sel $0xFFFF  }
0xbe: {  	[dreg:$0x0] =	wrdreg $0xFFFFFFFF;
	(pc) =	sbr.abs _section_cstart, $3  }
0xbf: {  	[dreg:$0x1] =	wrdreg $0xFFFFFFFF  }
0xc0: {  	_ =	task.clear_ibuf [dreg:s6], $0x2FFFF;
	_ =	strace $0x9FFFFFFF  }
0xc1: {  	(tm) =	ssettm $0x7FFFFFFF  }
tec
execute0_lowered:
.L_overlay_start_1:
0x0: {  	(tag) =	ssettag $0x1  }
0x1: {  	s3 =	rddreg [dreg:$0x0]  }
0x2: {  	s0 =	rddreg [dreg:$0x1];
	s2 =	simm.s32 $0x0;
	s1 =	stileid.u32  }
0x3: {  	s5 =	srdreg.scid;
	s11 =	simm.s32 $0x0;
	s4 =	smul.u32 $0x32, s1  }
0x4: {  	[smem:$0x7FF] =	sst s2;
	s6 =	smul.u32 $0x1900, s1;
	s5 =	sand.u32 $0x1, s5  }
0x5: {  	_ =	strace $0x80000047;
	s29 =	ssub.s32 $0x2, s5;
	s8 =	smul.u32 $0xC80, s5  }
0x6: {  	s10 =	smul.u32 $0x19, s5;
	s7 =	sadd.s32 s4, s3;
	s9 =	sshrl.u32 s29, $0x1  }
0x7: {  	s6 =	sadd.s32 s6, s3;
	s3 =	sadd.s32 $0x27FE00, s3;
	s4 =	ssub.s32 s29, s9  }
0x8: {  	s30 =	sadd.s32 s8, s6;
	s31 =	sadd.s32 s10, s7;
	s7 =	simm.s32 $0x2  }
0x9: {  	s8 =	simm.s32 $0xC8;
	s9 =	simm.s32 $0x100;
	s10 =	simm.s32 $0x1  }
0xa: {  	s4 =	smax.u32 s4, $0x1;
	s5 =	sadd.s32 $0x4E00, s30;
	s6 =	sadd.s32 $0x275E00, s31  }
.LBB2_1:
0xb: {  	s12 =	sadd.s32 $0x0, s6  }
0xc: {  	[tilespmem:s2], [sflag:$0x2] =	stream.linear.gather [hbm4b:s12+s2], $0xC8, $0x38;
	[tilespmem:$0x6500] =	vst v63  }
0xd: {  	_ =	swait.ge [sflag:s7], $0xC8  }
0xe: {  	[sflag:s7] =	ssyncset.done $0x0  }
0xf: {  	[sflag:s7] =	ssyncadd.s32 $0xFFFFFF38  }
0x10: {  	[tilespmem:s9], [sflag:$0x1] =	stream.indirect.gather [hbm4b:s3+s8], $0x80, s2, s8, $0xb8;
	[tilespmem:$0x6500] =	vst v63  }
0x11: {  	_ =	swait.ge [sflag:s10], $0x6400  }
0x12: {  	[sflag:s10] =	ssyncset.done $0x0  }
0x13: {  	[sflag:s10] =	ssyncadd.s32 $0xFFFF9C00  }
0x14: {  	[hbm4b:s5+s2] =	stream.linear.scatter [tilespmem:s9], [sflag:$0x2], $0x6400, $0x38;
	[tilespmem:$0x6500] =	vst v63  }
0x15: {  	s13 =	simm.s32 $0x320;
	_ =	swait.ge [sflag:s7], $0x6400  }
0x16: {  	s14 =	simm.s32 $0x640;
	s12 =	sadd.s32 $0x19000, s5;
	[sflag:s7] =	ssyncset.done $0x0  }
.LBB2_2:
0x17: {  	s15 =	sadd.s32 s13, s6  }
0x18: {  	[sflag:s7] =	ssyncadd.s32 $0xFFFF9C00;
	s13 =	smov.u32 s14;
	s16 =	sadd.s32 $0x320, s14  }
0x19: {  	[tilespmem:s2], [sflag:$0x2] =	stream.linear.gather [hbm4b:s15+s2], $0xC8, $0x38;
	[tilespmem:$0x6500] =	vst v63  }
0x1a: {  	p0 =	sne.s32 s14, $0x4B00;
	_ =	swait.ge [sflag:s7], $0xC8  }
0x1b: {  	[sflag:s7] =	ssyncset.done $0x0  }
0x1c: {  	[sflag:s7] =	ssyncadd.s32 $0xFFFFFF38  }
0x1d: {  	[tilespmem:s9], [sflag:$0x1] =	stream.indirect.gather [hbm4b:s3+s8], $0x80, s2, s8, $0xb8;
	[tilespmem:$0x6500] =	vst v63  }
0x1e: {  	_ =	swait.ge [sflag:s10], $0x6400  }
.Ltmp0:
0x1f: {  	[sflag:s10] =	ssyncset.done $0x0;
	(pc) =	sbr.rel @p0 .LBB2_2-.Ltmp0, $4  }
0x20: {  	[sflag:s10] =	ssyncadd.s32 $0xFFFF9C00  }
0x21: {  	[hbm4b:s12+s2] =	stream.linear.scatter [tilespmem:s9], [sflag:$0x2], $0x6400, $0x38;
	[tilespmem:$0x6500] =	vst v63  }
0x22: {  	_ =	swait.ge [sflag:s7], $0x6400  }
0x23: {  	s14 =	smov.u32 s16;
	s12 =	sadd.s32 $0x19000, s12;
	[sflag:s7] =	ssyncset.done $0x0  }
0x24: {  	s13 =	sadd.s32 s13, s6;
	[sflag:s7] =	ssyncadd.s32 $0xFFFF9C00  }
0x25: {  	[tilespmem:s2], [sflag:$0x2] =	stream.linear.gather [hbm4b:s13+s2], $0xC8, $0x38;
	[tilespmem:$0x6500] =	vst v63  }
0x26: {  	_ =	swait.ge [sflag:s7], $0xC8  }
0x27: {  	[sflag:s7] =	ssyncset.done $0x0  }
0x28: {  	[sflag:s7] =	ssyncadd.s32 $0xFFFFFF38  }
0x29: {  	[tilespmem:s9], [sflag:$0x1] =	stream.indirect.gather [hbm4b:s3+s8], $0x80, s2, s8, $0xb8;
	[tilespmem:$0x6500] =	vst v63  }
0x2a: {  	s11 =	sadd.s32 $0x1, s11;
	_ =	swait.ge [sflag:s10], $0x6400  }
0x2b: {  	p0 =	sne.s32 s11, s4;
	[sflag:s10] =	ssyncset.done $0x0  }
.Ltmp1:
0x2c: {  	[sflag:s10] =	ssyncadd.s32 $0xFFFF9C00;
	(pc) =	sbr.rel @p0 .LBB2_1-.Ltmp1, $4  }
0x2d: {  	[hbm4b:s12+s2] =	stream.linear.scatter [tilespmem:s9], [sflag:$0x2], $0x6400, $0x38;
	[tilespmem:$0x6500] =	vst v63  }
0x2e: {  	_ =	swait.ge [sflag:s7], $0x6400  }
0x2f: {  	[sflag:s7] =	ssyncset.done $0x0  }
0x30: {  	[sflag:s7] =	ssyncadd.s32 $0xFFFF9C00  }
0x31: {  	_ =	sfence.sel $0x180000  }
0x32: {  	[bflag:$0x0] =	sbarrier.arrive $0xFFFF  }
0x33: {  	p0 =	sne.s32 s1, $0x0;
	_ =	strace $0x90000047  }
0x34: {  	s0 =	sadd.s32 @!p0 $0x100000, s0;
	[bflag:$0x2] =	sbarrier.arrive $0xFFFF  }
0x35: {  	[sflag:s0] =	ssyncadd.tile.s32 @!p0 $0x1;
	_ =	shalt  }
.Lfunc_end2:
_tile_overlayer_lowered:
.L_overlay_start_2:
0x36: {  	(tag) =	ssettag $0x2  }
0x37: {  	s0 =	rddreg [dreg:$0x0];
	s2 =	stileid.u32  }
0x38: {  	s1 =	rddreg [dreg:$0x1];
	p0 =	sne.s32 s2, $0x0  }
0x39: {  	s3 =	rddreg [dreg:$0x2];
	[bflag:$0x3] =	sbarrier.arrive $0xFFFF;
	s2 =	simm.s32 @!p0 $0x1C02  }
0x3a: {  	[timem:s3], [sflag:s2] =	dma.local @!p0 [hbm:s0], s1  }
0x3b: {  	s0 =	simm.s32 @!p0 $0x2  }
0x3c: {  	_ =	swait.ge @!p0 [sflag:s0], s1  }
0x3d: {  	s1 =	ssub.s32 @!p0 $0x0, s1;
	[sflag:s0] =	ssyncset.done @!p0 $0x0  }
0x3e: {  	[sflag:s0] =	ssyncadd.s32 @!p0 s1  }
0x3f: {  	[bflag:$0x3] =	sbarrier.arrive $0xFFFF  }
0x40: {  	_ =	shalt  }

</sc_bundles>
